<compile_context>
chip_gen: v7x
topology: tpu7x:2x2x1
jax: 0.10.2.dev20260603
libtpu: 0.0.44.dev20260713+nightly
codegen_flags: <defaults>
</compile_context>

<pallas_src>
import functools

import jax
import jax.numpy as jnp
from jax import lax
from jax.experimental import pallas as pl
from jax.experimental.pallas import tpu as pltpu
from jax.experimental.pallas import tpu_sc as plsc

N_ATOMS = 100000
N_EDGES = 6400000
CUTOFF = 5.0
CUTON = 3.5
INV_RANGE = 1.0 / (CUTOFF - CUTON)

NC = 2
NS = 16
NW = NC * NS
EPT = N_EDGES // NW
C = 2000
G = EPT // C
ZTAB = 96


def _sc_body(atoms_h, dist_h, ii_h, jj_h, params_h, logz_h, out_h,
             atab, pv, lv, za,
             ii0, ii1, jj0, jj1, dd0, dd1, rep0, rep1, sii0, sii1,
             in_sem0, in_sem1, sc_sem0, sc_sem1, erep):
    c = lax.axis_index("c")
    s = lax.axis_index("s")
    wid = s * NC + c
    base0 = wid * EPT

    iib = (ii0, ii1)
    jjb = (jj0, jj1)
    ddb = (dd0, dd1)
    repb = (rep0, rep1)
    siib = (sii0, sii1)
    in_sems = (in_sem0, in_sem1)
    sc_sems = (sc_sem0, sc_sem1)

    def in_copies(g, b):
        base = pl.multiple_of(base0 + g * C, C)
        return (
            pltpu.make_async_copy(ii_h.at[pl.ds(base, C)], iib[b], in_sems[b]),
            pltpu.make_async_copy(jj_h.at[pl.ds(base, C)], jjb[b], in_sems[b]),
            pltpu.make_async_copy(dist_h.at[pl.ds(base, C)], ddb[b], in_sems[b]),
        )

    for b in range(2):
        for cp in in_copies(b, b):
            cp.start()

    pltpu.sync_copy(atoms_h, atab)
    pltpu.sync_copy(params_h, pv)
    pltpu.sync_copy(logz_h, lv)

    pvv = pv[...]
    s_aexp = pvv[0]
    inv_a = pvv[1]
    c0 = pvv[2]
    c1 = pvv[3]
    c2 = pvv[4]
    c3 = pvv[5]
    e0 = pvv[6]
    e1 = pvv[7]
    e2 = pvv[8]
    e3 = pvv[9]

    for k in range(ZTAB // 16):
        za[pl.ds(16 * k, 16)] = inv_a * jnp.exp(s_aexp * lv[pl.ds(16 * k, 16)])

    zeros16 = jnp.zeros((16,), jnp.float32)

    def _zfill(v, carry):
        rep0[pl.ds(16 * v, 16)] = zeros16
        return carry

    lax.fori_loop(0, C // 16, _zfill, 0)

    @pl.when(s == 0)
    def _zero_erep():
        def _zc(k, carry):
            pltpu.sync_copy(rep0, erep.at[pl.ds(k * C, C)])
            return carry
        lax.fori_loop(0, N_ATOMS // C, _zc, 0)

    plsc.subcore_barrier()

    def _compute_chunk(b):
        iiw, jjw, ddw = iib[b], jjb[b], ddb[b]
        repw, siiw = repb[b], siib[b]

        @plsc.parallel_loop(0, C, step=16, unroll=8)
        def _vec(o):
            iiv = iiw[pl.ds(o, 16)]
            jjv = jjw[pl.ds(o, 16)]
            d = ddw[pl.ds(o, 16)]
            ani = plsc.load_gather(atab, [iiv])
            anj = plsc.load_gather(atab, [jjv])
            zi = plsc.load_gather(za, [ani])
            zj = plsc.load_gather(za, [anj])
            arg = d * (zi + zj)
            phi = (c0 * jnp.exp(-e0 * arg) + c1 * jnp.exp(-e1 * arg)
                   + c2 * jnp.exp(-e2 * arg) + c3 * jnp.exp(-e3 * arg))
            x = (CUTOFF - d) * INV_RANGE
            poly = ((6.0 * x - 15.0) * x + 10.0) * x * x * x
            sw = jnp.where(d < CUTON, jnp.ones_like(d),
                           jnp.where(d >= CUTOFF, jnp.zeros_like(d), poly))
            anif = ani.astype(jnp.float32)
            anjf = anj.astype(jnp.float32)
            r = anif * anjf / d * phi * sw
            repw[pl.ds(o, 16)] = r
            siiw[pl.ds(o, 16)] = iiv

    def _group(grp, carry):
        for b in range(2):
            g = grp * 2 + b
            for cp in in_copies(g, b):
                cp.wait()
            @pl.when(g >= 2)
            def _wait_prev_scatter():
                pltpu.make_async_copy(
                    repb[b], erep.at[siib[b]], sc_sems[b]).wait()
            _compute_chunk(b)
            pltpu.async_copy(repb[b], erep.at[siib[b]], sc_sems[b], add=True)
            @pl.when(g + 2 < G)
            def _prefetch():
                for cp in in_copies(g + 2, b):
                    cp.start()
        return carry

    lax.fori_loop(0, G // 2, _group, 0)

    for b in range(2):
        pltpu.make_async_copy(repb[b], erep.at[siib[b]], sc_sems[b]).wait()

    plsc.subcore_barrier()

    @pl.when(s == 0)
    def _writeback():
        pltpu.sync_copy(erep, out_h.at[c])


_sc_kernel = functools.partial(
    pl.kernel,
    mesh=plsc.VectorSubcoreMesh(core_axis_name="c", subcore_axis_name="s"),
    out_type=jax.ShapeDtypeStruct((NC, N_ATOMS), jnp.float32),
    scratch_types=[
        pltpu.VMEM((N_ATOMS,), jnp.int32),
        pltpu.VMEM((16,), jnp.float32),
        pltpu.VMEM((ZTAB,), jnp.float32),
        pltpu.VMEM((ZTAB,), jnp.float32),
        pltpu.VMEM((C,), jnp.int32),
        pltpu.VMEM((C,), jnp.int32),
        pltpu.VMEM((C,), jnp.int32),
        pltpu.VMEM((C,), jnp.int32),
        pltpu.VMEM((C,), jnp.float32),
        pltpu.VMEM((C,), jnp.float32),
        pltpu.VMEM((C,), jnp.float32),
        pltpu.VMEM((C,), jnp.float32),
        pltpu.VMEM((C,), jnp.int32),
        pltpu.VMEM((C,), jnp.int32),
        pltpu.SemaphoreType.DMA,
        pltpu.SemaphoreType.DMA,
        pltpu.SemaphoreType.DMA,
        pltpu.SemaphoreType.DMA,
        pltpu.VMEM_SHARED((N_ATOMS,), jnp.float32),
    ],
    compiler_params=pltpu.CompilerParams(needs_layout_passes=False),
)(_sc_body)


def _add_body(p_ref, o_ref):
    o_ref[...] = p_ref[0, :] + p_ref[1, :]


def _combine(partials):
    return pl.pallas_call(
        _add_body,
        out_shape=jax.ShapeDtypeStruct((N_ATOMS,), jnp.float32),
    )(partials)


def kernel(atomic_numbers, distances, idx_i, idx_j, a_coefficient,
           a_exponent, phi_coefficients, phi_exponents):
    abs_c = jnp.abs(phi_coefficients)
    coeffs = 0.5 * abs_c / jnp.maximum(jnp.sum(abs_c), 1e-12)
    exps = jnp.abs(phi_exponents)
    s_aexp = jnp.abs(a_exponent)
    inv_a = 1.0 / jnp.abs(a_coefficient)
    params = jnp.zeros((16,), jnp.float32)
    params = params.at[0].set(s_aexp[0]).at[1].set(inv_a[0])
    params = params.at[2:6].set(coeffs).at[6:10].set(exps)
    logz = jnp.log(jnp.maximum(jnp.arange(ZTAB, dtype=jnp.float32), 1.0))
    partials = _sc_kernel(atomic_numbers, distances, idx_i, idx_j,
                          params, logz)
    return _combine(partials)

# --- scband reference (transcript-rebuilt; emitter-appended) ---
"""Pipeline reference for scband-zbl-repulsion-76441827934543 (READ-ONLY COPY).

The authoritative reference and input builder live on the scoring server;
editing this copy changes nothing except your own understanding.
"""

import jax, jax.numpy as jnp
import numpy as np

N_ATOMS = 100000
N_EDGES = 6400000
CUTOFF = 5.0
CUTON = 3.5
SWITCHOFF_RANGE = CUTOFF - CUTON
KE = 1.0  # energies_Hartree2model / distances_model2Bohr with identity unit conversion
D2B = 1.0  # distances_model2Bohr conversion factor (Bohr -> Bohr)


def setup_inputs(seed: int = 0) -> dict:
    key = jax.random.key(seed)
    k1, k2, k3, k4 = jax.random.split(key, 4)
    # atomic numbers in [1, 94]
    atomic_numbers = jax.random.randint(k1, (N_ATOMS,), 1, 95, dtype=jnp.int32)
    # pair distances in (0.1, 6.0) Angstrom-like range spanning cuton/cutoff
    distances = jax.random.uniform(k2, (N_EDGES,), dtype=jnp.float32, minval=0.1, maxval=6.0)
    idx_i = jax.random.randint(k3, (N_EDGES,), 0, N_ATOMS, dtype=jnp.int32)
    idx_j = jax.random.randint(k4, (N_EDGES,), 0, N_ATOMS, dtype=jnp.int32)
    # learned (trainable=True) ZBL parameters
    a_coefficient = jnp.array([0.8854], dtype=jnp.float32)
    a_exponent = jnp.array([0.23], dtype=jnp.float32)
    phi_coefficients = jnp.array([0.18175, 0.50986, 0.28022, 0.02817], dtype=jnp.float32)
    phi_exponents = jnp.array([3.1998, 0.94229, 0.4029, 0.20162], dtype=jnp.float32)
    return {
        "atomic_numbers": atomic_numbers,
        "distances": distances,
        "idx_i": idx_i,
        "idx_j": idx_j,
        "a_coefficient": a_coefficient,
        "a_exponent": a_exponent,
        "phi_coefficients": phi_coefficients,
        "phi_exponents": phi_exponents,
    }


def _switch_fn(distances):
    x = (CUTOFF - distances) / SWITCHOFF_RANGE
    poly = ((6.0 * x - 15.0) * x + 10.0) * x ** 3
    return jnp.where(
        distances < CUTON,
        jnp.ones_like(x),
        jnp.where(distances >= CUTOFF, jnp.zeros_like(x), poly),
    )


def reference(atomic_numbers, distances, idx_i, idx_j, a_coefficient,
              a_exponent, phi_coefficients, phi_exponents):
    switch_off = _switch_fn(distances)
    an = atomic_numbers.astype(jnp.float32)
    # za[n] = Z_n ** |a_exponent|
    za = an ** jnp.abs(a_exponent)  # broadcast [1] over [N] -> [N]
    # screening length per pair (gathers on idx_i / idx_j)
    a_ij = jnp.abs(a_coefficient / D2B) / (za[idx_i] + za[idx_j])  # [E]
    arguments = distances / a_ij  # [E]
    # L1-normalize |phi_coefficients| (torch F.normalize p=1, dim=0, eps=1e-12)
    abs_c = jnp.abs(phi_coefficients)
    coefficients = abs_c / jnp.maximum(jnp.sum(abs_c), 1e-12)
    exponents = jnp.abs(phi_exponents)
    phi = jnp.sum(
        coefficients[None, :] * jnp.exp(-exponents[None, :] * arguments[:, None]),
        axis=1,
    )  # [E]
    repulsion = 0.5 * KE * an[idx_i] * an[idx_j] / distances * phi * switch_off
    Erep = jax.ops.segment_sum(repulsion, idx_i, num_segments=N_ATOMS)
    return Erep

if __name__ == "__main__":
    import jax
    _d = setup_inputs()
    print(jax.jit(kernel)(*tuple(_d.values())))

</pallas_src>

<mosaic_0001>
#map = affine_map<(d0, d1) -> (0)>
#map1 = affine_map<(d0, d1) -> (0, 0)>
module attributes {stable_mosaic.version = 14 : i64} {
  func.func @_sc_body(%arg0: i32, %arg1: i32, %arg2: memref<100000xi32, #tpu.memory_space<hbm>>, %arg3: memref<6400000xf32, #tpu.memory_space<hbm>>, %arg4: memref<6400000xi32, #tpu.memory_space<hbm>>, %arg5: memref<6400000xi32, #tpu.memory_space<hbm>>, %arg6: memref<16xf32, #tpu.memory_space<hbm>>, %arg7: memref<96xf32, #tpu.memory_space<hbm>>, %arg8: memref<2x100000xf32, #tpu.memory_space<hbm>>, %arg9: memref<100000xi32, #tpu.memory_space<vmem>>, %arg10: memref<16xf32, #tpu.memory_space<vmem>>, %arg11: memref<96xf32, #tpu.memory_space<vmem>>, %arg12: memref<96xf32, #tpu.memory_space<vmem>>, %arg13: memref<2000xi32, #tpu.memory_space<vmem>>, %arg14: memref<2000xi32, #tpu.memory_space<vmem>>, %arg15: memref<2000xi32, #tpu.memory_space<vmem>>, %arg16: memref<2000xi32, #tpu.memory_space<vmem>>, %arg17: memref<2000xf32, #tpu.memory_space<vmem>>, %arg18: memref<2000xf32, #tpu.memory_space<vmem>>, %arg19: memref<2000xf32, #tpu.memory_space<vmem>>, %arg20: memref<2000xf32, #tpu.memory_space<vmem>>, %arg21: memref<2000xi32, #tpu.memory_space<vmem>>, %arg22: memref<2000xi32, #tpu.memory_space<vmem>>, %arg23: memref<!tpu.dma_semaphore, #tpu.memory_space<semaphore_mem>>, %arg24: memref<!tpu.dma_semaphore, #tpu.memory_space<semaphore_mem>>, %arg25: memref<!tpu.dma_semaphore, #tpu.memory_space<semaphore_mem>>, %arg26: memref<!tpu.dma_semaphore, #tpu.memory_space<semaphore_mem>>, %arg27: memref<100000xf32, #tpu.memory_space<vmem_shared>>) attributes {dimension_semantics = [#tpu.dimension_semantics<core_parallel>, #tpu.dimension_semantics<subcore_parallel>], iteration_bounds = array<i64: 2, 16>, scalar_prefetch = 0 : i64, scratch_operands = 19 : i64, tpu.core_type = #tpu.core_type<sc_vector_subcore>, window_params = [{transform_indices = #map}, {transform_indices = #map}, {transform_indices = #map}, {transform_indices = #map}, {transform_indices = #map}, {transform_indices = #map}, {transform_indices = #map1}]} {
    %mul3A = arith.constant 2 : i32
    %mul3A_0 = arith.muli %arg1, %mul3A : i32
    %add3A = arith.addi %mul3A_0, %arg0 : i32
    %mul3A_1 = arith.constant 200000 : i32
    %mul3A_2 = arith.muli %add3A, %mul3A_1 : i32
    %add3A_3 = arith.constant 0 : i32
    %add3A_4 = arith.addi %mul3A_2, %add3A_3 : i32
    %multiple_of3A = tpu.assume_multiple %add3A_4, 2000 : i32
    %dma_start3A = tpu.memref_slice %arg4[%multiple_of3A] : memref<6400000xi32, #tpu.memory_space<hbm>> -> memref<2000xi32, #tpu.memory_space<hbm>>
    %dma_start3A_5 = tpu.memref_slice %arg4[%multiple_of3A] : memref<6400000xi32, #tpu.memory_space<hbm>> -> memref<2000xi32, #tpu.memory_space<hbm>>
    tpu.enqueue_dma source(%dma_start3A_5 : memref<2000xi32, #tpu.memory_space<hbm>>) target(%arg13 : memref<2000xi32, #tpu.memory_space<vmem>>) target_semaphore(%arg23 : memref<!tpu.dma_semaphore, #tpu.memory_space<semaphore_mem>>)
    %dma_start3A_6 = tpu.memref_slice %arg5[%multiple_of3A] : memref<6400000xi32, #tpu.memory_space<hbm>> -> memref<2000xi32, #tpu.memory_space<hbm>>
    %dma_start3A_7 = tpu.memref_slice %arg5[%multiple_of3A] : memref<6400000xi32, #tpu.memory_space<hbm>> -> memref<2000xi32, #tpu.memory_space<hbm>>
    tpu.enqueue_dma source(%dma_start3A_7 : memref<2000xi32, #tpu.memory_space<hbm>>) target(%arg15 : memref<2000xi32, #tpu.memory_space<vmem>>) target_semaphore(%arg23 : memref<!tpu.dma_semaphore, #tpu.memory_space<semaphore_mem>>)
    %dma_start3A_8 = tpu.memref_slice %arg3[%multiple_of3A] : memref<6400000xf32, #tpu.memory_space<hbm>> -> memref<2000xf32, #tpu.memory_space<hbm>>
    %dma_start3A_9 = tpu.memref_slice %arg3[%multiple_of3A] : memref<6400000xf32, #tpu.memory_space<hbm>> -> memref<2000xf32, #tpu.memory_space<hbm>>
    tpu.enqueue_dma source(%dma_start3A_9 : memref<2000xf32, #tpu.memory_space<hbm>>) target(%arg17 : memref<2000xf32, #tpu.memory_space<vmem>>) target_semaphore(%arg23 : memref<!tpu.dma_semaphore, #tpu.memory_space<semaphore_mem>>)
    %add3A_10 = arith.constant 2000 : i32
    %add3A_11 = arith.addi %mul3A_2, %add3A_10 : i32
    %multiple_of3A_12 = tpu.assume_multiple %add3A_11, 2000 : i32
    %dma_start3A_13 = tpu.memref_slice %arg4[%multiple_of3A_12] : memref<6400000xi32, #tpu.memory_space<hbm>> -> memref<2000xi32, #tpu.memory_space<hbm>>
    %dma_start3A_14 = tpu.memref_slice %arg4[%multiple_of3A_12] : memref<6400000xi32, #tpu.memory_space<hbm>> -> memref<2000xi32, #tpu.memory_space<hbm>>
    tpu.enqueue_dma source(%dma_start3A_14 : memref<2000xi32, #tpu.memory_space<hbm>>) target(%arg14 : memref<2000xi32, #tpu.memory_space<vmem>>) target_semaphore(%arg24 : memref<!tpu.dma_semaphore, #tpu.memory_space<semaphore_mem>>)
    %dma_start3A_15 = tpu.memref_slice %arg5[%multiple_of3A_12] : memref<6400000xi32, #tpu.memory_space<hbm>> -> memref<2000xi32, #tpu.memory_space<hbm>>
    %dma_start3A_16 = tpu.memref_slice %arg5[%multiple_of3A_12] : memref<6400000xi32, #tpu.memory_space<hbm>> -> memref<2000xi32, #tpu.memory_space<hbm>>
    tpu.enqueue_dma source(%dma_start3A_16 : memref<2000xi32, #tpu.memory_space<hbm>>) target(%arg16 : memref<2000xi32, #tpu.memory_space<vmem>>) target_semaphore(%arg24 : memref<!tpu.dma_semaphore, #tpu.memory_space<semaphore_mem>>)
    %dma_start3A_17 = tpu.memref_slice %arg3[%multiple_of3A_12] : memref<6400000xf32, #tpu.memory_space<hbm>> -> memref<2000xf32, #tpu.memory_space<hbm>>
    %dma_start3A_18 = tpu.memref_slice %arg3[%multiple_of3A_12] : memref<6400000xf32, #tpu.memory_space<hbm>> -> memref<2000xf32, #tpu.memory_space<hbm>>
    tpu.enqueue_dma source(%dma_start3A_18 : memref<2000xf32, #tpu.memory_space<hbm>>) target(%arg18 : memref<2000xf32, #tpu.memory_space<vmem>>) target_semaphore(%arg24 : memref<!tpu.dma_semaphore, #tpu.memory_space<semaphore_mem>>)
    "tpu.region"() ({
      %run_scoped3A = tpu.sem_alloc : memref<!tpu.dma_semaphore, #tpu.memory_space<semaphore_mem>>
      tpu.enqueue_dma source(%arg2 : memref<100000xi32, #tpu.memory_space<hbm>>) target(%arg9 : memref<100000xi32, #tpu.memory_space<vmem>>) target_semaphore(%run_scoped3A : memref<!tpu.dma_semaphore, #tpu.memory_space<semaphore_mem>>)
      tpu.wait_dma2 semaphore(%run_scoped3A : memref<!tpu.dma_semaphore, #tpu.memory_space<semaphore_mem>>) src(%arg2 : memref<100000xi32, #tpu.memory_space<hbm>>) dst(%arg9 : memref<100000xi32, #tpu.memory_space<vmem>>)
      tpu.yield
    }) : () -> ()
    "tpu.region"() ({
      %run_scoped3A = tpu.sem_alloc : memref<!tpu.dma_semaphore, #tpu.memory_space<semaphore_mem>>
      tpu.enqueue_dma source(%arg6 : memref<16xf32, #tpu.memory_space<hbm>>) target(%arg10 : memref<16xf32, #tpu.memory_space<vmem>>) target_semaphore(%run_scoped3A : memref<!tpu.dma_semaphore, #tpu.memory_space<semaphore_mem>>)
      tpu.wait_dma2 semaphore(%run_scoped3A : memref<!tpu.dma_semaphore, #tpu.memory_space<semaphore_mem>>) src(%arg6 : memref<16xf32, #tpu.memory_space<hbm>>) dst(%arg10 : memref<16xf32, #tpu.memory_space<vmem>>)
      tpu.yield
    }) : () -> ()
    "tpu.region"() ({
      %run_scoped3A = tpu.sem_alloc : memref<!tpu.dma_semaphore, #tpu.memory_space<semaphore_mem>>
      tpu.enqueue_dma source(%arg7 : memref<96xf32, #tpu.memory_space<hbm>>) target(%arg11 : memref<96xf32, #tpu.memory_space<vmem>>) target_semaphore(%run_scoped3A : memref<!tpu.dma_semaphore, #tpu.memory_space<semaphore_mem>>)
      tpu.wait_dma2 semaphore(%run_scoped3A : memref<!tpu.dma_semaphore, #tpu.memory_space<semaphore_mem>>) src(%arg7 : memref<96xf32, #tpu.memory_space<hbm>>) dst(%arg11 : memref<96xf32, #tpu.memory_space<vmem>>)
      tpu.yield
    }) : () -> ()
    %get3A = arith.constant 0 : index
    %get3A_19 = tpu.vector_load %arg10[%get3A] {strides = array<i32>} : memref<16xf32, #tpu.memory_space<vmem>>, vector<16xf32>,
    %slice3A = vector.extract_strided_slice %get3A_19 {offsets = [0], sizes = [1], strides = [1]} : vector<16xf32> to vector<1xf32>
    %squeeze3A = vector.extract %slice3A[0] : f32 from vector<1xf32>
    %slice3A_20 = vector.extract_strided_slice %get3A_19 {offsets = [1], sizes = [1], strides = [1]} : vector<16xf32> to vector<1xf32>
    %squeeze3A_21 = vector.extract %slice3A_20[0] : f32 from vector<1xf32>
    %slice3A_22 = vector.extract_strided_slice %get3A_19 {offsets = [2], sizes = [1], strides = [1]} : vector<16xf32> to vector<1xf32>
    %squeeze3A_23 = vector.extract %slice3A_22[0] : f32 from vector<1xf32>
    %slice3A_24 = vector.extract_strided_slice %get3A_19 {offsets = [3], sizes = [1], strides = [1]} : vector<16xf32> to vector<1xf32>
    %squeeze3A_25 = vector.extract %slice3A_24[0] : f32 from vector<1xf32>
    %slice3A_26 = vector.extract_strided_slice %get3A_19 {offsets = [4], sizes = [1], strides = [1]} : vector<16xf32> to vector<1xf32>
    %squeeze3A_27 = vector.extract %slice3A_26[0] : f32 from vector<1xf32>
    %slice3A_28 = vector.extract_strided_slice %get3A_19 {offsets = [5], sizes = [1], strides = [1]} : vector<16xf32> to vector<1xf32>
    %squeeze3A_29 = vector.extract %slice3A_28[0] : f32 from vector<1xf32>
    %slice3A_30 = vector.extract_strided_slice %get3A_19 {offsets = [6], sizes = [1], strides = [1]} : vector<16xf32> to vector<1xf32>
    %squeeze3A_31 = vector.extract %slice3A_30[0] : f32 from vector<1xf32>
    %slice3A_32 = vector.extract_strided_slice %get3A_19 {offsets = [7], sizes = [1], strides = [1]} : vector<16xf32> to vector<1xf32>
    %squeeze3A_33 = vector.extract %slice3A_32[0] : f32 from vector<1xf32>
    %slice3A_34 = vector.extract_strided_slice %get3A_19 {offsets = [8], sizes = [1], strides = [1]} : vector<16xf32> to vector<1xf32>
    %squeeze3A_35 = vector.extract %slice3A_34[0] : f32 from vector<1xf32>
    %slice3A_36 = vector.extract_strided_slice %get3A_19 {offsets = [9], sizes = [1], strides = [1]} : vector<16xf32> to vector<1xf32>
    %squeeze3A_37 = vector.extract %slice3A_36[0] : f32 from vector<1xf32>
    %get3A_38 = arith.constant 0 : index
    %get3A_39 = tpu.vector_load %arg11[%get3A_38] {strides = array<i32>} : memref<96xf32, #tpu.memory_space<vmem>>, vector<16xf32>,
    %mul3A_40 = vector.broadcast %squeeze3A : f32 to vector<16xf32>
    %mul3A_41 = arith.mulf %mul3A_40, %get3A_39 : vector<16xf32>
    %exp3A = math.exp %mul3A_41 : vector<16xf32>
    %mul3A_42 = vector.broadcast %squeeze3A_21 : f32 to vector<16xf32>
    %mul3A_43 = arith.mulf %mul3A_42, %exp3A : vector<16xf32>
    %swap3A = arith.constant 0 : index
    %swap3A_44 = tpu.vector_load %arg12[%swap3A] {strides = array<i32>} : memref<96xf32, #tpu.memory_space<vmem>>, vector<16xf32>,
    tpu.vector_store %arg12[%swap3A], %mul3A_43 {strides = array<i32>} : memref<96xf32, #tpu.memory_space<vmem>>, vector<16xf32>,
    %get3A_45 = arith.constant 16 : index
    %get3A_46 = tpu.vector_load %arg11[%get3A_45] {strides = array<i32>} : memref<96xf32, #tpu.memory_space<vmem>>, vector<16xf32>,
    %mul3A_47 = vector.broadcast %squeeze3A : f32 to vector<16xf32>
    %mul3A_48 = arith.mulf %mul3A_47, %get3A_46 : vector<16xf32>
    %exp3A_49 = math.exp %mul3A_48 : vector<16xf32>
    %mul3A_50 = vector.broadcast %squeeze3A_21 : f32 to vector<16xf32>
    %mul3A_51 = arith.mulf %mul3A_50, %exp3A_49 : vector<16xf32>
    %swap3A_52 = arith.constant 16 : index
    %swap3A_53 = tpu.vector_load %arg12[%swap3A_52] {strides = array<i32>} : memref<96xf32, #tpu.memory_space<vmem>>, vector<16xf32>,
    tpu.vector_store %arg12[%swap3A_52], %mul3A_51 {strides = array<i32>} : memref<96xf32, #tpu.memory_space<vmem>>, vector<16xf32>,
    %get3A_54 = arith.constant 32 : index
    %get3A_55 = tpu.vector_load %arg11[%get3A_54] {strides = array<i32>} : memref<96xf32, #tpu.memory_space<vmem>>, vector<16xf32>,
    %mul3A_56 = vector.broadcast %squeeze3A : f32 to vector<16xf32>
    %mul3A_57 = arith.mulf %mul3A_56, %get3A_55 : vector<16xf32>
    %exp3A_58 = math.exp %mul3A_57 : vector<16xf32>
    %mul3A_59 = vector.broadcast %squeeze3A_21 : f32 to vector<16xf32>
    %mul3A_60 = arith.mulf %mul3A_59, %exp3A_58 : vector<16xf32>
    %swap3A_61 = arith.constant 32 : index
    %swap3A_62 = tpu.vector_load %arg12[%swap3A_61] {strides = array<i32>} : memref<96xf32, #tpu.memory_space<vmem>>, vector<16xf32>,
    tpu.vector_store %arg12[%swap3A_61], %mul3A_60 {strides = array<i32>} : memref<96xf32, #tpu.memory_space<vmem>>, vector<16xf32>,
    %get3A_63 = arith.constant 48 : index
    %get3A_64 = tpu.vector_load %arg11[%get3A_63] {strides = array<i32>} : memref<96xf32, #tpu.memory_space<vmem>>, vector<16xf32>,
    %mul3A_65 = vector.broadcast %squeeze3A : f32 to vector<16xf32>
    %mul3A_66 = arith.mulf %mul3A_65, %get3A_64 : vector<16xf32>
    %exp3A_67 = math.exp %mul3A_66 : vector<16xf32>
    %mul3A_68 = vector.broadcast %squeeze3A_21 : f32 to vector<16xf32>
    %mul3A_69 = arith.mulf %mul3A_68, %exp3A_67 : vector<16xf32>
    %swap3A_70 = arith.constant 48 : index
    %swap3A_71 = tpu.vector_load %arg12[%swap3A_70] {strides = array<i32>} : memref<96xf32, #tpu.memory_space<vmem>>, vector<16xf32>,
    tpu.vector_store %arg12[%swap3A_70], %mul3A_69 {strides = array<i32>} : memref<96xf32, #tpu.memory_space<vmem>>, vector<16xf32>,
    %get3A_72 = arith.constant 64 : index
    %get3A_73 = tpu.vector_load %arg11[%get3A_72] {strides = array<i32>} : memref<96xf32, #tpu.memory_space<vmem>>, vector<16xf32>,
    %mul3A_74 = vector.broadcast %squeeze3A : f32 to vector<16xf32>
    %mul3A_75 = arith.mulf %mul3A_74, %get3A_73 : vector<16xf32>
    %exp3A_76 = math.exp %mul3A_75 : vector<16xf32>
    %mul3A_77 = vector.broadcast %squeeze3A_21 : f32 to vector<16xf32>
    %mul3A_78 = arith.mulf %mul3A_77, %exp3A_76 : vector<16xf32>
    %swap3A_79 = arith.constant 64 : index
    %swap3A_80 = tpu.vector_load %arg12[%swap3A_79] {strides = array<i32>} : memref<96xf32, #tpu.memory_space<vmem>>, vector<16xf32>,
    tpu.vector_store %arg12[%swap3A_79], %mul3A_78 {strides = array<i32>} : memref<96xf32, #tpu.memory_space<vmem>>, vector<16xf32>,
    %get3A_81 = arith.constant 80 : index
    %get3A_82 = tpu.vector_load %arg11[%get3A_81] {strides = array<i32>} : memref<96xf32, #tpu.memory_space<vmem>>, vector<16xf32>,
    %mul3A_83 = vector.broadcast %squeeze3A : f32 to vector<16xf32>
    %mul3A_84 = arith.mulf %mul3A_83, %get3A_82 : vector<16xf32>
    %exp3A_85 = math.exp %mul3A_84 : vector<16xf32>
    %mul3A_86 = vector.broadcast %squeeze3A_21 : f32 to vector<16xf32>
    %mul3A_87 = arith.mulf %mul3A_86, %exp3A_85 : vector<16xf32>
    %swap3A_88 = arith.constant 80 : index
    %swap3A_89 = tpu.vector_load %arg12[%swap3A_88] {strides = array<i32>} : memref<96xf32, #tpu.memory_space<vmem>>, vector<16xf32>,
    tpu.vector_store %arg12[%swap3A_88], %mul3A_87 {strides = array<i32>} : memref<96xf32, #tpu.memory_space<vmem>>, vector<16xf32>,
    %broadcast_in_dim3A = arith.constant 0.000000e+00 : f32
    %broadcast_in_dim3A_90 = vector.broadcast %broadcast_in_dim3A : f32 to vector<16xf32>
    %scan3A = arith.constant 0 : i32
    %scan3A_91 = arith.constant 0 : i32
    %scan3A_92 = arith.constant 125 : i32
    %scan3A_93 = arith.addi %scan3A_91, %scan3A_92 : i32
    %scan3A_94 = arith.constant 1 : i32
    scf.for %scan3A_113 = %scan3A_91 to %scan3A_93 step %scan3A_94  : i32 {
      %mul3A_114 = arith.constant 16 : i32
      %mul3A_115 = arith.muli %mul3A_114, %scan3A_113 : i32
      %swap3A_116 = arith.index_cast %mul3A_115 : i32 to index
      %swap3A_117 = tpu.vector_load %arg19[%swap3A_116] {strides = array<i32>} : memref<2000xf32, #tpu.memory_space<vmem>>, vector<16xf32>,
      tpu.vector_store %arg19[%swap3A_116], %broadcast_in_dim3A_90 {strides = array<i32>} : memref<2000xf32, #tpu.memory_space<vmem>>, vector<16xf32>,
    }
    %scan3A_95 = arith.constant 125 : i32
    %eq3A = arith.constant 0 : i32
    %eq3A_96 = arith.cmpi eq, %arg1, %eq3A : i32
    %convert_element_type3A = arith.extui %eq3A_96 : i1 to i32
    %cond3A = arith.constant 0 : i32
    %cond3A_97 = arith.cmpi ne, %convert_element_type3A, %cond3A : i32
    scf.if %cond3A_97 {
      %scan3A_113 = arith.constant 0 : i32
      %scan3A_114 = arith.constant 0 : i32
      %scan3A_115 = arith.constant 50 : i32
      %scan3A_116 = arith.addi %scan3A_114, %scan3A_115 : i32
      %scan3A_117 = arith.constant 1 : i32
      scf.for %scan3A_119 = %scan3A_114 to %scan3A_116 step %scan3A_117  : i32 {
        %mul3A_120 = arith.constant 2000 : i32
        %mul3A_121 = arith.muli %scan3A_119, %mul3A_120 : i32
        "tpu.region"() ({
          %run_scoped3A = tpu.sem_alloc : memref<!tpu.dma_semaphore, #tpu.memory_space<semaphore_mem>>
          %dma_start3A_122 = tpu.memref_slice %arg27[%mul3A_121] : memref<100000xf32, #tpu.memory_space<vmem_shared>> -> memref<2000xf32, #tpu.memory_space<vmem_shared>>
          %dma_start3A_123 = tpu.memref_slice %arg27[%mul3A_121] : memref<100000xf32, #tpu.memory_space<vmem_shared>> -> memref<2000xf32, #tpu.memory_space<vmem_shared>>
          tpu.enqueue_dma source(%arg19 : memref<2000xf32, #tpu.memory_space<vmem>>) target(%dma_start3A_123 : memref<2000xf32, #tpu.memory_space<vmem_shared>>) target_semaphore(%run_scoped3A : memref<!tpu.dma_semaphore, #tpu.memory_space<semaphore_mem>>)
          %dma_wait3A_124 = tpu.memref_slice %arg27[%mul3A_121] : memref<100000xf32, #tpu.memory_space<vmem_shared>> -> memref<2000xf32, #tpu.memory_space<vmem_shared>>
          %dma_wait3A_125 = tpu.memref_slice %arg27[%mul3A_121] : memref<100000xf32, #tpu.memory_space<vmem_shared>> -> memref<2000xf32, #tpu.memory_space<vmem_shared>>
          tpu.wait_dma2 semaphore(%run_scoped3A : memref<!tpu.dma_semaphore, #tpu.memory_space<semaphore_mem>>) src(%arg19 : memref<2000xf32, #tpu.memory_space<vmem>>) dst(%dma_wait3A_125 : memref<2000xf32, #tpu.memory_space<vmem_shared>>)
          tpu.yield
        }) : () -> ()
      }
      %scan3A_118 = arith.constant 50 : i32
    } else {
    }
    %barrier3A = arith.constant 0 : index
    tpu.barrier barrier_id(%barrier3A)
    %scan3A_98 = arith.constant 0 : i32
    %scan3A_99 = arith.constant 0 : i32
    %scan3A_100 = arith.constant 50 : i32
    %scan3A_101 = arith.addi %scan3A_99, %scan3A_100 : i32
    %scan3A_102 = arith.constant 1 : i32
    scf.for %scan3A_113 = %scan3A_99 to %scan3A_101 step %scan3A_102  : i32 {
      %mul3A_114 = arith.constant 2 : i32
      %mul3A_115 = arith.muli %scan3A_113, %mul3A_114 : i32
      %add3A_116 = arith.constant 0 : i32
      %add3A_117 = arith.addi %mul3A_115, %add3A_116 : i32
      %mul3A_118 = arith.constant 2000 : i32
      %mul3A_119 = arith.muli %add3A_117, %mul3A_118 : i32
      %add3A_120 = arith.addi %mul3A_2, %mul3A_119 : i32
      %multiple_of3A_121 = tpu.assume_multiple %add3A_120, 2000 : i32
      %dma_wait3A_122 = tpu.memref_slice %arg4[%multiple_of3A_121] : memref<6400000xi32, #tpu.memory_space<hbm>> -> memref<2000xi32, #tpu.memory_space<hbm>>
      %dma_wait3A_123 = tpu.memref_slice %arg4[%multiple_of3A_121] : memref<6400000xi32, #tpu.memory_space<hbm>> -> memref<2000xi32, #tpu.memory_space<hbm>>
      tpu.wait_dma2 semaphore(%arg23 : memref<!tpu.dma_semaphore, #tpu.memory_space<semaphore_mem>>) src(%dma_wait3A_123 : memref<2000xi32, #tpu.memory_space<hbm>>) dst(%arg13 : memref<2000xi32, #tpu.memory_space<vmem>>)
      %dma_wait3A_124 = tpu.memref_slice %arg5[%multiple_of3A_121] : memref<6400000xi32, #tpu.memory_space<hbm>> -> memref<2000xi32, #tpu.memory_space<hbm>>
      %dma_wait3A_125 = tpu.memref_slice %arg5[%multiple_of3A_121] : memref<6400000xi32, #tpu.memory_space<hbm>> -> memref<2000xi32, #tpu.memory_space<hbm>>
      tpu.wait_dma2 semaphore(%arg23 : memref<!tpu.dma_semaphore, #tpu.memory_space<semaphore_mem>>) src(%dma_wait3A_125 : memref<2000xi32, #tpu.memory_space<hbm>>) dst(%arg15 : memref<2000xi32, #tpu.memory_space<vmem>>)
      %dma_wait3A_126 = tpu.memref_slice %arg3[%multiple_of3A_121] : memref<6400000xf32, #tpu.memory_space<hbm>> -> memref<2000xf32, #tpu.memory_space<hbm>>
      %dma_wait3A_127 = tpu.memref_slice %arg3[%multiple_of3A_121] : memref<6400000xf32, #tpu.memory_space<hbm>> -> memref<2000xf32, #tpu.memory_space<hbm>>
      tpu.wait_dma2 semaphore(%arg23 : memref<!tpu.dma_semaphore, #tpu.memory_space<semaphore_mem>>) src(%dma_wait3A_127 : memref<2000xf32, #tpu.memory_space<hbm>>) dst(%arg17 : memref<2000xf32, #tpu.memory_space<vmem>>)
      %ge3A = arith.constant 2 : i32
      %ge3A_128 = arith.cmpi sge, %add3A_117, %ge3A : i32
      %convert_element_type3A_129 = arith.extui %ge3A_128 : i1 to i32
      %cond3A_130 = arith.constant 0 : i32
      %cond3A_131 = arith.cmpi ne, %convert_element_type3A_129, %cond3A_130 : i32
      scf.if %cond3A_131 {
        %dma_wait3A_173 = arith.constant 0 : i32
        %dma_wait3A_174 = tpu.memref_slice %arg27[%dma_wait3A_173] : memref<100000xf32, #tpu.memory_space<vmem_shared>> -> memref<100000xf32, #tpu.memory_space<vmem_shared>>
        tpu.wait_indirect_dma semaphore(%arg25 : memref<!tpu.dma_semaphore, #tpu.memory_space<semaphore_mem>>) src(%arg19 : memref<2000xf32, #tpu.memory_space<vmem>>) dst(%dma_wait3A_174 : memref<100000xf32, #tpu.memory_space<vmem_shared>>)
      } else {
      }
      %parallel_loop3A = arith.constant 0 : i32
      %parallel_loop3A_132 = arith.constant 2000 : i32
      %parallel_loop3A_133 = arith.constant 16 : i32
      scf.for %parallel_loop3A_173 = %parallel_loop3A to %parallel_loop3A_132 step %parallel_loop3A_133  : i32 {
        %parallel_loop3A_174 = arith.index_cast %parallel_loop3A_173 : i32 to index
        %parallel_loop3A_175 = tpu.vector_load %arg13[%parallel_loop3A_174] {strides = array<i32>} : memref<2000xi32, #tpu.memory_space<vmem>>, vector<16xi32>,
        %parallel_loop3A_176 = arith.index_cast %parallel_loop3A_173 : i32 to index
        %parallel_loop3A_177 = tpu.vector_load %arg15[%parallel_loop3A_176] {strides = array<i32>} : memref<2000xi32, #tpu.memory_space<vmem>>, vector<16xi32>,
        %parallel_loop3A_178 = arith.index_cast %parallel_loop3A_173 : i32 to index
        %parallel_loop3A_179 = tpu.vector_load %arg17[%parallel_loop3A_178] {strides = array<i32>} : memref<2000xf32, #tpu.memory_space<vmem>>, vector<16xf32>,
        %parallel_loop3A_180 = tpu.vector_load_idx %arg9[%parallel_loop3A_175] : memref<100000xi32, #tpu.memory_space<vmem>>[vector<16xi32>], vector<16xi32>,
        %parallel_loop3A_181 = tpu.vector_load_idx %arg9[%parallel_loop3A_177] : memref<100000xi32, #tpu.memory_space<vmem>>[vector<16xi32>], vector<16xi32>,
        %parallel_loop3A_182 = tpu.vector_load_idx %arg12[%parallel_loop3A_180] : memref<96xf32, #tpu.memory_space<vmem>>[vector<16xi32>], vector<16xf32>,
        %parallel_loop3A_183 = tpu.vector_load_idx %arg12[%parallel_loop3A_181] : memref<96xf32, #tpu.memory_space<vmem>>[vector<16xi32>], vector<16xf32>,
        %parallel_loop3A_184 = arith.addf %parallel_loop3A_182, %parallel_loop3A_183 : vector<16xf32>
        %parallel_loop3A_185 = arith.mulf %parallel_loop3A_179, %parallel_loop3A_184 : vector<16xf32>
        %parallel_loop3A_186 = arith.constant 0.000000e+00 : f32
        %parallel_loop3A_187 = arith.subf %parallel_loop3A_186, %squeeze3A_31 : f32
        %parallel_loop3A_188 = vector.broadcast %parallel_loop3A_187 : f32 to vector<16xf32>
        %parallel_loop3A_189 = arith.mulf %parallel_loop3A_188, %parallel_loop3A_185 : vector<16xf32>
        %parallel_loop3A_190 = math.exp %parallel_loop3A_189 : vector<16xf32>
        %parallel_loop3A_191 = vector.broadcast %squeeze3A_23 : f32 to vector<16xf32>
        %parallel_loop3A_192 = arith.mulf %parallel_loop3A_191, %parallel_loop3A_190 : vector<16xf32>
        %parallel_loop3A_193 = arith.constant 0.000000e+00 : f32
        %parallel_loop3A_194 = arith.subf %parallel_loop3A_193, %squeeze3A_33 : f32
        %parallel_loop3A_195 = vector.broadcast %parallel_loop3A_194 : f32 to vector<16xf32>
        %parallel_loop3A_196 = arith.mulf %parallel_loop3A_195, %parallel_loop3A_185 : vector<16xf32>
        %parallel_loop3A_197 = math.exp %parallel_loop3A_196 : vector<16xf32>
        %parallel_loop3A_198 = vector.broadcast %squeeze3A_25 : f32 to vector<16xf32>
        %parallel_loop3A_199 = arith.mulf %parallel_loop3A_198, %parallel_loop3A_197 : vector<16xf32>
        %parallel_loop3A_200 = arith.addf %parallel_loop3A_192, %parallel_loop3A_199 : vector<16xf32>
        %parallel_loop3A_201 = arith.constant 0.000000e+00 : f32
        %parallel_loop3A_202 = arith.subf %parallel_loop3A_201, %squeeze3A_35 : f32
        %parallel_loop3A_203 = vector.broadcast %parallel_loop3A_202 : f32 to vector<16xf32>
        %parallel_loop3A_204 = arith.mulf %parallel_loop3A_203, %parallel_loop3A_185 : vector<16xf32>
        %parallel_loop3A_205 = math.exp %parallel_loop3A_204 : vector<16xf32>
        %parallel_loop3A_206 = vector.broadcast %squeeze3A_27 : f32 to vector<16xf32>
        %parallel_loop3A_207 = arith.mulf %parallel_loop3A_206, %parallel_loop3A_205 : vector<16xf32>
        %parallel_loop3A_208 = arith.addf %parallel_loop3A_200, %parallel_loop3A_207 : vector<16xf32>
        %parallel_loop3A_209 = arith.constant 0.000000e+00 : f32
        %parallel_loop3A_210 = arith.subf %parallel_loop3A_209, %squeeze3A_37 : f32
        %parallel_loop3A_211 = vector.broadcast %parallel_loop3A_210 : f32 to vector<16xf32>
        %parallel_loop3A_212 = arith.mulf %parallel_loop3A_211, %parallel_loop3A_185 : vector<16xf32>
        %parallel_loop3A_213 = math.exp %parallel_loop3A_212 : vector<16xf32>
        %parallel_loop3A_214 = vector.broadcast %squeeze3A_29 : f32 to vector<16xf32>
        %parallel_loop3A_215 = arith.mulf %parallel_loop3A_214, %parallel_loop3A_213 : vector<16xf32>
        %parallel_loop3A_216 = arith.addf %parallel_loop3A_208, %parallel_loop3A_215 : vector<16xf32>
        %parallel_loop3A_217 = arith.constant 5.000000e+00 : f32
        %parallel_loop3A_218 = vector.broadcast %parallel_loop3A_217 : f32 to vector<16xf32>
        %parallel_loop3A_219 = arith.subf %parallel_loop3A_218, %parallel_loop3A_179 : vector<16xf32>
        %parallel_loop3A_220 = arith.constant 0.666666686 : f32
        %parallel_loop3A_221 = vector.broadcast %parallel_loop3A_220 : f32 to vector<16xf32>
        %parallel_loop3A_222 = arith.mulf %parallel_loop3A_219, %parallel_loop3A_221 : vector<16xf32>
        %parallel_loop3A_223 = arith.constant 6.000000e+00 : f32
        %parallel_loop3A_224 = vector.broadcast %parallel_loop3A_223 : f32 to vector<16xf32>
        %parallel_loop3A_225 = arith.mulf %parallel_loop3A_224, %parallel_loop3A_222 : vector<16xf32>
        %parallel_loop3A_226 = arith.constant 1.500000e+01 : f32
        %parallel_loop3A_227 = vector.broadcast %parallel_loop3A_226 : f32 to vector<16xf32>
        %parallel_loop3A_228 = arith.subf %parallel_loop3A_225, %parallel_loop3A_227 : vector<16xf32>
        %parallel_loop3A_229 = arith.mulf %parallel_loop3A_228, %parallel_loop3A_222 : vector<16xf32>
        %parallel_loop3A_230 = arith.constant 1.000000e+01 : f32
        %parallel_loop3A_231 = vector.broadcast %parallel_loop3A_230 : f32 to vector<16xf32>
        %parallel_loop3A_232 = arith.addf %parallel_loop3A_229, %parallel_loop3A_231 : vector<16xf32>
        %parallel_loop3A_233 = arith.mulf %parallel_loop3A_232, %parallel_loop3A_222 : vector<16xf32>
        %parallel_loop3A_234 = arith.mulf %parallel_loop3A_233, %parallel_loop3A_222 : vector<16xf32>
        %parallel_loop3A_235 = arith.mulf %parallel_loop3A_234, %parallel_loop3A_222 : vector<16xf32>
        %parallel_loop3A_236 = arith.constant 3.500000e+00 : f32
        %parallel_loop3A_237 = vector.broadcast %parallel_loop3A_236 : f32 to vector<16xf32>
        %parallel_loop3A_238 = arith.cmpf olt, %parallel_loop3A_179, %parallel_loop3A_237 : vector<16xf32>
        %parallel_loop3A_239 = arith.constant 1.000000e+00 : f32
        %parallel_loop3A_240 = vector.broadcast %parallel_loop3A_239 : f32 to vector<16xf32>
        %parallel_loop3A_241 = arith.constant 5.000000e+00 : f32
        %parallel_loop3A_242 = vector.broadcast %parallel_loop3A_241 : f32 to vector<16xf32>
        %parallel_loop3A_243 = arith.cmpf oge, %parallel_loop3A_179, %parallel_loop3A_242 : vector<16xf32>
        %parallel_loop3A_244 = arith.constant 0.000000e+00 : f32
        %parallel_loop3A_245 = vector.broadcast %parallel_loop3A_244 : f32 to vector<16xf32>
        %parallel_loop3A_246 = arith.select %parallel_loop3A_243, %parallel_loop3A_245, %parallel_loop3A_235 : vector<16xi1>, vector<16xf32>
        %parallel_loop3A_247 = arith.select %parallel_loop3A_238, %parallel_loop3A_240, %parallel_loop3A_246 : vector<16xi1>, vector<16xf32>
        %parallel_loop3A_248 = arith.sitofp %parallel_loop3A_180 : vector<16xi32> to vector<16xf32>
        %parallel_loop3A_249 = arith.sitofp %parallel_loop3A_181 : vector<16xi32> to vector<16xf32>
        %parallel_loop3A_250 = arith.mulf %parallel_loop3A_248, %parallel_loop3A_249 : vector<16xf32>
        %parallel_loop3A_251 = arith.divf %parallel_loop3A_250, %parallel_loop3A_179 : vector<16xf32>
        %parallel_loop3A_252 = arith.mulf %parallel_loop3A_251, %parallel_loop3A_216 : vector<16xf32>
        %parallel_loop3A_253 = arith.mulf %parallel_loop3A_252, %parallel_loop3A_247 : vector<16xf32>
        %parallel_loop3A_254 = arith.index_cast %parallel_loop3A_173 : i32 to index
        %parallel_loop3A_255 = tpu.vector_load %arg19[%parallel_loop3A_254] {strides = array<i32>} : memref<2000xf32, #tpu.memory_space<vmem>>, vector<16xf32>,
        tpu.vector_store %arg19[%parallel_loop3A_254], %parallel_loop3A_253 {strides = array<i32>} : memref<2000xf32, #tpu.memory_space<vmem>>, vector<16xf32>,
        %parallel_loop3A_256 = arith.index_cast %parallel_loop3A_173 : i32 to index
        %parallel_loop3A_257 = tpu.vector_load %arg21[%parallel_loop3A_256] {strides = array<i32>} : memref<2000xi32, #tpu.memory_space<vmem>>, vector<16xi32>,
        tpu.vector_store %arg21[%parallel_loop3A_256], %parallel_loop3A_175 {strides = array<i32>} : memref<2000xi32, #tpu.memory_space<vmem>>, vector<16xi32>,
      } {sc.loop_unroll_factor = 8 : i64, sc.parallel_access}
      %dma_start3A_134 = arith.constant 0 : i32
      %dma_start3A_135 = tpu.memref_slice %arg27[%dma_start3A_134] : memref<100000xf32, #tpu.memory_space<vmem_shared>> -> memref<100000xf32, #tpu.memory_space<vmem_shared>>
      tpu.enqueue_indirect_dma source(%arg19 : memref<2000xf32, #tpu.memory_space<vmem>>) target(%dma_start3A_135 : memref<100000xf32, #tpu.memory_space<vmem_shared>>) offsets(%arg21 : memref<2000xi32, #tpu.memory_space<vmem>>) semaphore(%arg25 : memref<!tpu.dma_semaphore, #tpu.memory_space<semaphore_mem>>) {add = true}
      %add3A_136 = arith.constant 2 : i32
      %add3A_137 = arith.addi %add3A_117, %add3A_136 : i32
      %lt3A = arith.constant 100 : i32
      %lt3A_138 = arith.cmpi slt, %add3A_137, %lt3A : i32
      %convert_element_type3A_139 = arith.extui %lt3A_138 : i1 to i32
      %cond3A_140 = arith.constant 0 : i32
      %cond3A_141 = arith.cmpi ne, %convert_element_type3A_139, %cond3A_140 : i32
      scf.if %cond3A_141 {
        %add3A_173 = arith.constant 2 : i32
        %add3A_174 = arith.addi %add3A_117, %add3A_173 : i32
        %mul3A_175 = arith.constant 2000 : i32
        %mul3A_176 = arith.muli %add3A_174, %mul3A_175 : i32
        %add3A_177 = arith.addi %mul3A_2, %mul3A_176 : i32
        %multiple_of3A_178 = tpu.assume_multiple %add3A_177, 2000 : i32
        %dma_start3A_179 = tpu.memref_slice %arg4[%multiple_of3A_178] : memref<6400000xi32, #tpu.memory_space<hbm>> -> memref<2000xi32, #tpu.memory_space<hbm>>
        %dma_start3A_180 = tpu.memref_slice %arg4[%multiple_of3A_178] : memref<6400000xi32, #tpu.memory_space<hbm>> -> memref<2000xi32, #tpu.memory_space<hbm>>
        tpu.enqueue_dma source(%dma_start3A_180 : memref<2000xi32, #tpu.memory_space<hbm>>) target(%arg13 : memref<2000xi32, #tpu.memory_space<vmem>>) target_semaphore(%arg23 : memref<!tpu.dma_semaphore, #tpu.memory_space<semaphore_mem>>)
        %dma_start3A_181 = tpu.memref_slice %arg5[%multiple_of3A_178] : memref<6400000xi32, #tpu.memory_space<hbm>> -> memref<2000xi32, #tpu.memory_space<hbm>>
        %dma_start3A_182 = tpu.memref_slice %arg5[%multiple_of3A_178] : memref<6400000xi32, #tpu.memory_space<hbm>> -> memref<2000xi32, #tpu.memory_space<hbm>>
        tpu.enqueue_dma source(%dma_start3A_182 : memref<2000xi32, #tpu.memory_space<hbm>>) target(%arg15 : memref<2000xi32, #tpu.memory_space<vmem>>) target_semaphore(%arg23 : memref<!tpu.dma_semaphore, #tpu.memory_space<semaphore_mem>>)
        %dma_start3A_183 = tpu.memref_slice %arg3[%multiple_of3A_178] : memref<6400000xf32, #tpu.memory_space<hbm>> -> memref<2000xf32, #tpu.memory_space<hbm>>
        %dma_start3A_184 = tpu.memref_slice %arg3[%multiple_of3A_178] : memref<6400000xf32, #tpu.memory_space<hbm>> -> memref<2000xf32, #tpu.memory_space<hbm>>
        tpu.enqueue_dma source(%dma_start3A_184 : memref<2000xf32, #tpu.memory_space<hbm>>) target(%arg17 : memref<2000xf32, #tpu.memory_space<vmem>>) target_semaphore(%arg23 : memref<!tpu.dma_semaphore, #tpu.memory_space<semaphore_mem>>)
      } else {
      }
      %mul3A_142 = arith.constant 2 : i32
      %mul3A_143 = arith.muli %scan3A_113, %mul3A_142 : i32
      %add3A_144 = arith.constant 1 : i32
      %add3A_145 = arith.addi %mul3A_143, %add3A_144 : i32
      %mul3A_146 = arith.constant 2000 : i32
      %mul3A_147 = arith.muli %add3A_145, %mul3A_146 : i32
      %add3A_148 = arith.addi %mul3A_2, %mul3A_147 : i32
      %multiple_of3A_149 = tpu.assume_multiple %add3A_148, 2000 : i32
      %dma_wait3A_150 = tpu.memref_slice %arg4[%multiple_of3A_149] : memref<6400000xi32, #tpu.memory_space<hbm>> -> memref<2000xi32, #tpu.memory_space<hbm>>
      %dma_wait3A_151 = tpu.memref_slice %arg4[%multiple_of3A_149] : memref<6400000xi32, #tpu.memory_space<hbm>> -> memref<2000xi32, #tpu.memory_space<hbm>>
      tpu.wait_dma2 semaphore(%arg24 : memref<!tpu.dma_semaphore, #tpu.memory_space<semaphore_mem>>) src(%dma_wait3A_151 : memref<2000xi32, #tpu.memory_space<hbm>>) dst(%arg14 : memref<2000xi32, #tpu.memory_space<vmem>>)
      %dma_wait3A_152 = tpu.memref_slice %arg5[%multiple_of3A_149] : memref<6400000xi32, #tpu.memory_space<hbm>> -> memref<2000xi32, #tpu.memory_space<hbm>>
      %dma_wait3A_153 = tpu.memref_slice %arg5[%multiple_of3A_149] : memref<6400000xi32, #tpu.memory_space<hbm>> -> memref<2000xi32, #tpu.memory_space<hbm>>
      tpu.wait_dma2 semaphore(%arg24 : memref<!tpu.dma_semaphore, #tpu.memory_space<semaphore_mem>>) src(%dma_wait3A_153 : memref<2000xi32, #tpu.memory_space<hbm>>) dst(%arg16 : memref<2000xi32, #tpu.memory_space<vmem>>)
      %dma_wait3A_154 = tpu.memref_slice %arg3[%multiple_of3A_149] : memref<6400000xf32, #tpu.memory_space<hbm>> -> memref<2000xf32, #tpu.memory_space<hbm>>
      %dma_wait3A_155 = tpu.memref_slice %arg3[%multiple_of3A_149] : memref<6400000xf32, #tpu.memory_space<hbm>> -> memref<2000xf32, #tpu.memory_space<hbm>>
      tpu.wait_dma2 semaphore(%arg24 : memref<!tpu.dma_semaphore, #tpu.memory_space<semaphore_mem>>) src(%dma_wait3A_155 : memref<2000xf32, #tpu.memory_space<hbm>>) dst(%arg18 : memref<2000xf32, #tpu.memory_space<vmem>>)
      %ge3A_156 = arith.constant 2 : i32
      %ge3A_157 = arith.cmpi sge, %add3A_145, %ge3A_156 : i32
      %convert_element_type3A_158 = arith.extui %ge3A_157 : i1 to i32
      %cond3A_159 = arith.constant 0 : i32
      %cond3A_160 = arith.cmpi ne, %convert_element_type3A_158, %cond3A_159 : i32
      scf.if %cond3A_160 {
        %dma_wait3A_173 = arith.constant 0 : i32
        %dma_wait3A_174 = tpu.memref_slice %arg27[%dma_wait3A_173] : memref<100000xf32, #tpu.memory_space<vmem_shared>> -> memref<100000xf32, #tpu.memory_space<vmem_shared>>
        tpu.wait_indirect_dma semaphore(%arg26 : memref<!tpu.dma_semaphore, #tpu.memory_space<semaphore_mem>>) src(%arg20 : memref<2000xf32, #tpu.memory_space<vmem>>) dst(%dma_wait3A_174 : memref<100000xf32, #tpu.memory_space<vmem_shared>>)
      } else {
      }
      %parallel_loop3A_161 = arith.constant 0 : i32
      %parallel_loop3A_162 = arith.constant 2000 : i32
      %parallel_loop3A_163 = arith.constant 16 : i32
      scf.for %parallel_loop3A_173 = %parallel_loop3A_161 to %parallel_loop3A_162 step %parallel_loop3A_163  : i32 {
        %parallel_loop3A_174 = arith.index_cast %parallel_loop3A_173 : i32 to index
        %parallel_loop3A_175 = tpu.vector_load %arg14[%parallel_loop3A_174] {strides = array<i32>} : memref<2000xi32, #tpu.memory_space<vmem>>, vector<16xi32>,
        %parallel_loop3A_176 = arith.index_cast %parallel_loop3A_173 : i32 to index
        %parallel_loop3A_177 = tpu.vector_load %arg16[%parallel_loop3A_176] {strides = array<i32>} : memref<2000xi32, #tpu.memory_space<vmem>>, vector<16xi32>,
        %parallel_loop3A_178 = arith.index_cast %parallel_loop3A_173 : i32 to index
        %parallel_loop3A_179 = tpu.vector_load %arg18[%parallel_loop3A_178] {strides = array<i32>} : memref<2000xf32, #tpu.memory_space<vmem>>, vector<16xf32>,
        %parallel_loop3A_180 = tpu.vector_load_idx %arg9[%parallel_loop3A_175] : memref<100000xi32, #tpu.memory_space<vmem>>[vector<16xi32>], vector<16xi32>,
        %parallel_loop3A_181 = tpu.vector_load_idx %arg9[%parallel_loop3A_177] : memref<100000xi32, #tpu.memory_space<vmem>>[vector<16xi32>], vector<16xi32>,
        %parallel_loop3A_182 = tpu.vector_load_idx %arg12[%parallel_loop3A_180] : memref<96xf32, #tpu.memory_space<vmem>>[vector<16xi32>], vector<16xf32>,
        %parallel_loop3A_183 = tpu.vector_load_idx %arg12[%parallel_loop3A_181] : memref<96xf32, #tpu.memory_space<vmem>>[vector<16xi32>], vector<16xf32>,
        %parallel_loop3A_184 = arith.addf %parallel_loop3A_182, %parallel_loop3A_183 : vector<16xf32>
        %parallel_loop3A_185 = arith.mulf %parallel_loop3A_179, %parallel_loop3A_184 : vector<16xf32>
        %parallel_loop3A_186 = arith.constant 0.000000e+00 : f32
        %parallel_loop3A_187 = arith.subf %parallel_loop3A_186, %squeeze3A_31 : f32
        %parallel_loop3A_188 = vector.broadcast %parallel_loop3A_187 : f32 to vector<16xf32>
        %parallel_loop3A_189 = arith.mulf %parallel_loop3A_188, %parallel_loop3A_185 : vector<16xf32>
        %parallel_loop3A_190 = math.exp %parallel_loop3A_189 : vector<16xf32>
        %parallel_loop3A_191 = vector.broadcast %squeeze3A_23 : f32 to vector<16xf32>
        %parallel_loop3A_192 = arith.mulf %parallel_loop3A_191, %parallel_loop3A_190 : vector<16xf32>
        %parallel_loop3A_193 = arith.constant 0.000000e+00 : f32
        %parallel_loop3A_194 = arith.subf %parallel_loop3A_193, %squeeze3A_33 : f32
        %parallel_loop3A_195 = vector.broadcast %parallel_loop3A_194 : f32 to vector<16xf32>
        %parallel_loop3A_196 = arith.mulf %parallel_loop3A_195, %parallel_loop3A_185 : vector<16xf32>
        %parallel_loop3A_197 = math.exp %parallel_loop3A_196 : vector<16xf32>
        %parallel_loop3A_198 = vector.broadcast %squeeze3A_25 : f32 to vector<16xf32>
        %parallel_loop3A_199 = arith.mulf %parallel_loop3A_198, %parallel_loop3A_197 : vector<16xf32>
        %parallel_loop3A_200 = arith.addf %parallel_loop3A_192, %parallel_loop3A_199 : vector<16xf32>
        %parallel_loop3A_201 = arith.constant 0.000000e+00 : f32
        %parallel_loop3A_202 = arith.subf %parallel_loop3A_201, %squeeze3A_35 : f32
        %parallel_loop3A_203 = vector.broadcast %parallel_loop3A_202 : f32 to vector<16xf32>
        %parallel_loop3A_204 = arith.mulf %parallel_loop3A_203, %parallel_loop3A_185 : vector<16xf32>
        %parallel_loop3A_205 = math.exp %parallel_loop3A_204 : vector<16xf32>
        %parallel_loop3A_206 = vector.broadcast %squeeze3A_27 : f32 to vector<16xf32>
        %parallel_loop3A_207 = arith.mulf %parallel_loop3A_206, %parallel_loop3A_205 : vector<16xf32>
        %parallel_loop3A_208 = arith.addf %parallel_loop3A_200, %parallel_loop3A_207 : vector<16xf32>
        %parallel_loop3A_209 = arith.constant 0.000000e+00 : f32
        %parallel_loop3A_210 = arith.subf %parallel_loop3A_209, %squeeze3A_37 : f32
        %parallel_loop3A_211 = vector.broadcast %parallel_loop3A_210 : f32 to vector<16xf32>
        %parallel_loop3A_212 = arith.mulf %parallel_loop3A_211, %parallel_loop3A_185 : vector<16xf32>
        %parallel_loop3A_213 = math.exp %parallel_loop3A_212 : vector<16xf32>
        %parallel_loop3A_214 = vector.broadcast %squeeze3A_29 : f32 to vector<16xf32>
        %parallel_loop3A_215 = arith.mulf %parallel_loop3A_214, %parallel_loop3A_213 : vector<16xf32>
        %parallel_loop3A_216 = arith.addf %parallel_loop3A_208, %parallel_loop3A_215 : vector<16xf32>
        %parallel_loop3A_217 = arith.constant 5.000000e+00 : f32
        %parallel_loop3A_218 = vector.broadcast %parallel_loop3A_217 : f32 to vector<16xf32>
        %parallel_loop3A_219 = arith.subf %parallel_loop3A_218, %parallel_loop3A_179 : vector<16xf32>
        %parallel_loop3A_220 = arith.constant 0.666666686 : f32
        %parallel_loop3A_221 = vector.broadcast %parallel_loop3A_220 : f32 to vector<16xf32>
        %parallel_loop3A_222 = arith.mulf %parallel_loop3A_219, %parallel_loop3A_221 : vector<16xf32>
        %parallel_loop3A_223 = arith.constant 6.000000e+00 : f32
        %parallel_loop3A_224 = vector.broadcast %parallel_loop3A_223 : f32 to vector<16xf32>
        %parallel_loop3A_225 = arith.mulf %parallel_loop3A_224, %parallel_loop3A_222 : vector<16xf32>
        %parallel_loop3A_226 = arith.constant 1.500000e+01 : f32
        %parallel_loop3A_227 = vector.broadcast %parallel_loop3A_226 : f32 to vector<16xf32>
        %parallel_loop3A_228 = arith.subf %parallel_loop3A_225, %parallel_loop3A_227 : vector<16xf32>
        %parallel_loop3A_229 = arith.mulf %parallel_loop3A_228, %parallel_loop3A_222 : vector<16xf32>
        %parallel_loop3A_230 = arith.constant 1.000000e+01 : f32
        %parallel_loop3A_231 = vector.broadcast %parallel_loop3A_230 : f32 to vector<16xf32>
        %parallel_loop3A_232 = arith.addf %parallel_loop3A_229, %parallel_loop3A_231 : vector<16xf32>
        %parallel_loop3A_233 = arith.mulf %parallel_loop3A_232, %parallel_loop3A_222 : vector<16xf32>
        %parallel_loop3A_234 = arith.mulf %parallel_loop3A_233, %parallel_loop3A_222 : vector<16xf32>
        %parallel_loop3A_235 = arith.mulf %parallel_loop3A_234, %parallel_loop3A_222 : vector<16xf32>
        %parallel_loop3A_236 = arith.constant 3.500000e+00 : f32
        %parallel_loop3A_237 = vector.broadcast %parallel_loop3A_236 : f32 to vector<16xf32>
        %parallel_loop3A_238 = arith.cmpf olt, %parallel_loop3A_179, %parallel_loop3A_237 : vector<16xf32>
        %parallel_loop3A_239 = arith.constant 1.000000e+00 : f32
        %parallel_loop3A_240 = vector.broadcast %parallel_loop3A_239 : f32 to vector<16xf32>
        %parallel_loop3A_241 = arith.constant 5.000000e+00 : f32
        %parallel_loop3A_242 = vector.broadcast %parallel_loop3A_241 : f32 to vector<16xf32>
        %parallel_loop3A_243 = arith.cmpf oge, %parallel_loop3A_179, %parallel_loop3A_242 : vector<16xf32>
        %parallel_loop3A_244 = arith.constant 0.000000e+00 : f32
        %parallel_loop3A_245 = vector.broadcast %parallel_loop3A_244 : f32 to vector<16xf32>
        %parallel_loop3A_246 = arith.select %parallel_loop3A_243, %parallel_loop3A_245, %parallel_loop3A_235 : vector<16xi1>, vector<16xf32>
        %parallel_loop3A_247 = arith.select %parallel_loop3A_238, %parallel_loop3A_240, %parallel_loop3A_246 : vector<16xi1>, vector<16xf32>
        %parallel_loop3A_248 = arith.sitofp %parallel_loop3A_180 : vector<16xi32> to vector<16xf32>
        %parallel_loop3A_249 = arith.sitofp %parallel_loop3A_181 : vector<16xi32> to vector<16xf32>
        %parallel_loop3A_250 = arith.mulf %parallel_loop3A_248, %parallel_loop3A_249 : vector<16xf32>
        %parallel_loop3A_251 = arith.divf %parallel_loop3A_250, %parallel_loop3A_179 : vector<16xf32>
        %parallel_loop3A_252 = arith.mulf %parallel_loop3A_251, %parallel_loop3A_216 : vector<16xf32>
        %parallel_loop3A_253 = arith.mulf %parallel_loop3A_252, %parallel_loop3A_247 : vector<16xf32>
        %parallel_loop3A_254 = arith.index_cast %parallel_loop3A_173 : i32 to index
        %parallel_loop3A_255 = tpu.vector_load %arg20[%parallel_loop3A_254] {strides = array<i32>} : memref<2000xf32, #tpu.memory_space<vmem>>, vector<16xf32>,
        tpu.vector_store %arg20[%parallel_loop3A_254], %parallel_loop3A_253 {strides = array<i32>} : memref<2000xf32, #tpu.memory_space<vmem>>, vector<16xf32>,
        %parallel_loop3A_256 = arith.index_cast %parallel_loop3A_173 : i32 to index
        %parallel_loop3A_257 = tpu.vector_load %arg22[%parallel_loop3A_256] {strides = array<i32>} : memref<2000xi32, #tpu.memory_space<vmem>>, vector<16xi32>,
        tpu.vector_store %arg22[%parallel_loop3A_256], %parallel_loop3A_175 {strides = array<i32>} : memref<2000xi32, #tpu.memory_space<vmem>>, vector<16xi32>,
      } {sc.loop_unroll_factor = 8 : i64, sc.parallel_access}
      %dma_start3A_164 = arith.constant 0 : i32
      %dma_start3A_165 = tpu.memref_slice %arg27[%dma_start3A_164] : memref<100000xf32, #tpu.memory_space<vmem_shared>> -> memref<100000xf32, #tpu.memory_space<vmem_shared>>
      tpu.enqueue_indirect_dma source(%arg20 : memref<2000xf32, #tpu.memory_space<vmem>>) target(%dma_start3A_165 : memref<100000xf32, #tpu.memory_space<vmem_shared>>) offsets(%arg22 : memref<2000xi32, #tpu.memory_space<vmem>>) semaphore(%arg26 : memref<!tpu.dma_semaphore, #tpu.memory_space<semaphore_mem>>) {add = true}
      %add3A_166 = arith.constant 2 : i32
      %add3A_167 = arith.addi %add3A_145, %add3A_166 : i32
      %lt3A_168 = arith.constant 100 : i32
      %lt3A_169 = arith.cmpi slt, %add3A_167, %lt3A_168 : i32
      %convert_element_type3A_170 = arith.extui %lt3A_169 : i1 to i32
      %cond3A_171 = arith.constant 0 : i32
      %cond3A_172 = arith.cmpi ne, %convert_element_type3A_170, %cond3A_171 : i32
      scf.if %cond3A_172 {
        %add3A_173 = arith.constant 2 : i32
        %add3A_174 = arith.addi %add3A_145, %add3A_173 : i32
        %mul3A_175 = arith.constant 2000 : i32
        %mul3A_176 = arith.muli %add3A_174, %mul3A_175 : i32
        %add3A_177 = arith.addi %mul3A_2, %mul3A_176 : i32
        %multiple_of3A_178 = tpu.assume_multiple %add3A_177, 2000 : i32
        %dma_start3A_179 = tpu.memref_slice %arg4[%multiple_of3A_178] : memref<6400000xi32, #tpu.memory_space<hbm>> -> memref<2000xi32, #tpu.memory_space<hbm>>
        %dma_start3A_180 = tpu.memref_slice %arg4[%multiple_of3A_178] : memref<6400000xi32, #tpu.memory_space<hbm>> -> memref<2000xi32, #tpu.memory_space<hbm>>
        tpu.enqueue_dma source(%dma_start3A_180 : memref<2000xi32, #tpu.memory_space<hbm>>) target(%arg14 : memref<2000xi32, #tpu.memory_space<vmem>>) target_semaphore(%arg24 : memref<!tpu.dma_semaphore, #tpu.memory_space<semaphore_mem>>)
        %dma_start3A_181 = tpu.memref_slice %arg5[%multiple_of3A_178] : memref<6400000xi32, #tpu.memory_space<hbm>> -> memref<2000xi32, #tpu.memory_space<hbm>>
        %dma_start3A_182 = tpu.memref_slice %arg5[%multiple_of3A_178] : memref<6400000xi32, #tpu.memory_space<hbm>> -> memref<2000xi32, #tpu.memory_space<hbm>>
        tpu.enqueue_dma source(%dma_start3A_182 : memref<2000xi32, #tpu.memory_space<hbm>>) target(%arg16 : memref<2000xi32, #tpu.memory_space<vmem>>) target_semaphore(%arg24 : memref<!tpu.dma_semaphore, #tpu.memory_space<semaphore_mem>>)
        %dma_start3A_183 = tpu.memref_slice %arg3[%multiple_of3A_178] : memref<6400000xf32, #tpu.memory_space<hbm>> -> memref<2000xf32, #tpu.memory_space<hbm>>
        %dma_start3A_184 = tpu.memref_slice %arg3[%multiple_of3A_178] : memref<6400000xf32, #tpu.memory_space<hbm>> -> memref<2000xf32, #tpu.memory_space<hbm>>
        tpu.enqueue_dma source(%dma_start3A_184 : memref<2000xf32, #tpu.memory_space<hbm>>) target(%arg18 : memref<2000xf32, #tpu.memory_space<vmem>>) target_semaphore(%arg24 : memref<!tpu.dma_semaphore, #tpu.memory_space<semaphore_mem>>)
      } else {
      }
    }
    %scan3A_103 = arith.constant 50 : i32
    %dma_wait3A = arith.constant 0 : i32
    %dma_wait3A_104 = tpu.memref_slice %arg27[%dma_wait3A] : memref<100000xf32, #tpu.memory_space<vmem_shared>> -> memref<100000xf32, #tpu.memory_space<vmem_shared>>
    tpu.wait_indirect_dma semaphore(%arg25 : memref<!tpu.dma_semaphore, #tpu.memory_space<semaphore_mem>>) src(%arg19 : memref<2000xf32, #tpu.memory_space<vmem>>) dst(%dma_wait3A_104 : memref<100000xf32, #tpu.memory_space<vmem_shared>>)
    %dma_wait3A_105 = arith.constant 0 : i32
    %dma_wait3A_106 = tpu.memref_slice %arg27[%dma_wait3A_105] : memref<100000xf32, #tpu.memory_space<vmem_shared>> -> memref<100000xf32, #tpu.memory_space<vmem_shared>>
    tpu.wait_indirect_dma semaphore(%arg26 : memref<!tpu.dma_semaphore, #tpu.memory_space<semaphore_mem>>) src(%arg20 : memref<2000xf32, #tpu.memory_space<vmem>>) dst(%dma_wait3A_106 : memref<100000xf32, #tpu.memory_space<vmem_shared>>)
    %barrier3A_107 = arith.constant 0 : index
    tpu.barrier barrier_id(%barrier3A_107)
    %eq3A_108 = arith.constant 0 : i32
    %eq3A_109 = arith.cmpi eq, %arg1, %eq3A_108 : i32
    %convert_element_type3A_110 = arith.extui %eq3A_109 : i1 to i32
    %cond3A_111 = arith.constant 0 : i32
    %cond3A_112 = arith.cmpi ne, %convert_element_type3A_110, %cond3A_111 : i32
    scf.if %cond3A_112 {
      "tpu.region"() ({
        %run_scoped3A = tpu.sem_alloc : memref<!tpu.dma_semaphore, #tpu.memory_space<semaphore_mem>>
        %dma_start3A_113 = arith.constant 0 : i32
        %dma_start3A_114 = tpu.memref_slice %arg8[%arg0, %dma_start3A_113] : memref<2x100000xf32, #tpu.memory_space<hbm>> -> memref<1x100000xf32, #tpu.memory_space<hbm>>
        %dma_start3A_115 = tpu.memref_squeeze %dma_start3A_114 : memref<1x100000xf32, #tpu.memory_space<hbm>> -> memref<100000xf32, #tpu.memory_space<hbm>>
        tpu.enqueue_dma source(%arg27 : memref<100000xf32, #tpu.memory_space<vmem_shared>>) target(%dma_start3A_115 : memref<100000xf32, #tpu.memory_space<hbm>>) target_semaphore(%run_scoped3A : memref<!tpu.dma_semaphore, #tpu.memory_space<semaphore_mem>>)
        %dma_wait3A_116 = arith.constant 0 : i32
        %dma_wait3A_117 = tpu.memref_slice %arg8[%arg0, %dma_wait3A_116] : memref<2x100000xf32, #tpu.memory_space<hbm>> -> memref<1x100000xf32, #tpu.memory_space<hbm>>
        %dma_wait3A_118 = tpu.memref_squeeze %dma_wait3A_117 : memref<1x100000xf32, #tpu.memory_space<hbm>> -> memref<100000xf32, #tpu.memory_space<hbm>>
        tpu.wait_dma2 semaphore(%run_scoped3A : memref<!tpu.dma_semaphore, #tpu.memory_space<semaphore_mem>>) src(%arg27 : memref<100000xf32, #tpu.memory_space<vmem_shared>>) dst(%dma_wait3A_118 : memref<100000xf32, #tpu.memory_space<hbm>>)
        tpu.yield
      }) : () -> ()
    } else {
    }
    return
  }
}

module attributes {stable_mosaic.version = 14 : i64} {
  func.func @_add_body(%arg0: memref<2x100000xf32, #tpu.memory_space<vmem>>, %arg1: memref<100000xf32, #tpu.memory_space<vmem>>) attributes {dimension_semantics = [], scalar_prefetch = 0 : i64, scratch_operands = 0 : i64, tpu.core_type = #tpu.core_type<tc>} {
    %get3A = arith.constant 0 : index
    %get3A_0 = arith.constant 0 : index
    %get3A_1 = vector.load %arg0[%get3A, %get3A_0] : memref<2x100000xf32, #tpu.memory_space<vmem>>, vector<1x100000xf32>
    %get3A_2 = vector.shape_cast %get3A_1 : vector<1x100000xf32> to vector<100000xf32>
    %get3A_3 = arith.constant 1 : index
    %get3A_4 = arith.constant 0 : index
    %get3A_5 = vector.load %arg0[%get3A_3, %get3A_4] : memref<2x100000xf32, #tpu.memory_space<vmem>>, vector<1x100000xf32>
    %get3A_6 = vector.shape_cast %get3A_5 : vector<1x100000xf32> to vector<100000xf32>
    %add3A = arith.addf %get3A_2, %get3A_6 : vector<100000xf32>
    %swap3A = arith.constant 0 : index
    %swap3A_7 = vector.load %arg1[%swap3A] : memref<100000xf32, #tpu.memory_space<vmem>>, vector<100000xf32>
    tpu.vector_store %arg1[%swap3A], %add3A {strides = array<i32>} : memref<100000xf32, #tpu.memory_space<vmem>>, vector<100000xf32>,
    return
  }
}

</mosaic_0001>

<sc_bundles>
// kernel: kernel.4.cloned.1.call-start
scs
__scs_entry_jumppad:
0x0: {  	(pc) =	sbr.rel $0x88, $3  }
0x1: {  	(tag) =	ssettag $0x0;
	lr =	simm.s32 $0x1  }
0x2: {  	[smem:$0x3F99] =	sst lr;
	_ =	strace $0xD0000000  }
0x3: {  	_ = 	snop  }
0x4: {  	_ = 	snop  }
0x5: {  	_ = 	snop  }
0x6: {  	_ = 	snop  }
0x7: {  	_ = 	snop  }
__scs_overlays_trampoline_lowered:
0x8: {  	[smem:$0x3FA8] =	sst s0  }
0x9: {  	[smem:$0x3FA9] =	sst s1  }
0xa: {  	[smem:$0x3FAA] =	sst s2  }
0xb: {  	[smem:$0x3FAB] =	sst s3  }
0xc: {  	[smem:$0x3FAC] =	sst s4  }
0xd: {  	[smem:$0x3FAD] =	sst s5  }
0xe: {  	[smem:$0x3FAE] =	sst s6  }
0xf: {  	[smem:$0x3FAF] =	sst s7  }
0x10: {  	[smem:$0x3FB0] =	sst s8  }
0x11: {  	[smem:$0x3FB1] =	sst s9;
	s0 =	simm.s32 @!p0 $0x0  }
0x12: {  	s1 =	sld [smem:$0x3F97];
	s0 =	simm.s32 @p0 $0x1  }
0x13: {  	[smem:$0x3FB2] =	sst s0;
	s0 =	simm.s32 @!p1 $0x0  }
0x14: {  	s2 =	sld [smem:$0x3F96];
	s0 =	simm.s32 @p1 $0x1  }
0x15: {  	[smem:$0x3FB3] =	sst s0;
	s0 =	simm.s32 @!p2 $0x0  }
0x16: {  	s3 =	sld [smem:$0x3FDB];
	s0 =	simm.s32 @p2 $0x1  }
0x17: {  	s4 =	simm.s32 $0x1BF5;
	[smem:$0x3FB5] =	sst s0  }
0x18: {  	s0 =	sld [smem:$0x3F98];
	_ =	swait.ge [sflag:s4], $0x0  }
0x19: {  	s7 =	sld [smem:$0x3F99]  }
0x1a: {  	s8 =	sadd.s32 $0xFFFFE003, lr  }
0x1b: {  	s9 =	sadd.s32 $0xFFFFFEF7, lr;
	s5 =	simm.s32 $0xFFFFFFFF;
	p2 =	slt.u32 s8, $0xFFFFF086  }
0x1c: {  	p1 =	slt.u32 s9, $0xF7A;
	s5 =	simm.s32 @!p2 $0x0  }
0x1d: {  	s5 =	simm.s32 @p1 $0x1;
	p0 =	seq.s32 s7, s2  }
0x1e: {  	s7 =	smul.u32 @!p0 $0xF7A, s2;
	p2 =	seq.s32 @!p0 s5, $0x0  }
0x1f: {  	s9 =	smul.u32 $0xF7A, s1;
	s8 =	simm.s32 @!p0 $0x1BF5;
	p2 =	por !p2, p0  }
0x20: {  	[sflag:s8] =	ssyncset.s32 @!p0 $0xFFFFF086;
	s6 =	sadd.s32 @!p0 s3, s7;
	s7 =	simm.s32 @!p0 $0x108  }
0x21: {  	s3 =	sadd.s32 s3, s9;
	s6 =	sadd.s32 @!p0 $0x88, s6;
	s7 =	simm.s32 @p2 $0x1082  }
0x22: {  	[simem:s7], [sflag:s8] =	dma.local @!p0 [hbm:s6], $0xF7A  }
0x23: {  	s9 =	sor.u32 $0xD0000000, s2;
	s6 =	simm.s32 $0x108;
	_ =	swait.ge @!p0 [sflag:s8], $0x0  }
0x24: {  	s3 =	sadd.s32 $0x88, s3;
	s6 =	simm.s32 @!p1 $0x1082;
	[sflag:s4] =	ssyncset.s32 $0xFFFFF086  }
0x25: {  	[simem:s6], [sflag:s4] =	dma.local [hbm:s3], $0xF7A  }
0x26: {  	[smem:$0x3F99] =	sst s1;
	(tag) =	ssettag s2;
	_ =	strace s9  }
0x27: {  	s1 =	sld [smem:$0x3FA9]  }
0x28: {  	s2 =	sld [smem:$0x3FAA]  }
0x29: {  	s4 =	sld [smem:$0x3FAC]  }
0x2a: {  	p0 =	seq.s32 s5, $0x0;
	s5 =	sld [smem:$0x3FAD]  }
0x2b: {  	s6 =	sld [smem:$0x3FAE]  }
0x2c: {  	s7 =	sld [smem:$0x3FAF]  }
0x2d: {  	s3 =	simm.s32 $0x108;
	s8 =	sld [smem:$0x3FB0]  }
0x2e: {  	s3 =	simm.s32 @!p0 $0x1082;
	s9 =	sld [smem:$0x3FB1]  }
0x2f: {  	lr =	sadd.s32 s0, s3;
	s0 =	sld [smem:$0x3FA8]  }
0x30: {  	s3 =	sld [smem:$0x3FAB]  }
0x31: {  	[smem:$0x3FB4] =	sst s10  }
0x32: {  	s10 =	sld [smem:$0x3FB2];
	_ =	sdelay $0x3  }
0x33: {  	p0 =	seq.s32 s10, $0x1;
	s10 =	sld [smem:$0x3FB4];
	_ =	sdelay $0x3  }
0x34: {  	[smem:$0x3FB4] =	sst s10  }
0x35: {  	s10 =	sld [smem:$0x3FB3];
	_ =	sdelay $0x3  }
0x36: {  	p1 =	seq.s32 s10, $0x1;
	s10 =	sld [smem:$0x3FB4];
	_ =	sdelay $0x3  }
0x37: {  	[smem:$0x3FB4] =	sst s10  }
0x38: {  	s10 =	sld [smem:$0x3FB5]  }
0x39: {  	_ = 	snop;
	(pc) =	sbr.ind lr, $3  }
0x3a: {  	_ = 	snop  }
0x3b: {  	_ = 	snop  }
0x3c: {  	p2 =	seq.s32 s10, $0x1;
	s10 =	sld [smem:$0x3FB4]  }
0x3d: {  	_ =	shalt  }
0x3e: {  	_ =	shalt  }
0x3f: {  	_ =	shalt  }
0x40: {  	_ =	shalt  }
0x41: {  	_ =	shalt  }
0x42: {  	_ =	shalt  }
0x43: {  	_ =	shalt  }
0x44: {  	_ =	shalt  }
0x45: {  	_ =	shalt  }
0x46: {  	_ =	shalt  }
0x47: {  	_ =	shalt  }
0x48: {  	_ =	shalt  }
0x49: {  	_ =	shalt  }
0x4a: {  	_ =	shalt  }
0x4b: {  	_ =	shalt  }
0x4c: {  	_ =	shalt  }
0x4d: {  	_ =	shalt  }
0x4e: {  	_ =	shalt  }
0x4f: {  	_ =	shalt  }
0x50: {  	_ =	shalt  }
0x51: {  	_ =	shalt  }
0x52: {  	_ =	shalt  }
0x53: {  	_ =	shalt  }
0x54: {  	_ =	shalt  }
0x55: {  	_ =	shalt  }
0x56: {  	_ =	shalt  }
0x57: {  	_ =	shalt  }
0x58: {  	_ =	shalt  }
0x59: {  	_ =	shalt  }
0x5a: {  	_ =	shalt  }
0x5b: {  	_ =	shalt  }
0x5c: {  	_ =	shalt  }
0x5d: {  	_ =	shalt  }
0x5e: {  	_ =	shalt  }
0x5f: {  	_ =	shalt  }
0x60: {  	_ =	shalt  }
0x61: {  	_ =	shalt  }
0x62: {  	_ =	shalt  }
0x63: {  	_ =	shalt  }
0x64: {  	_ =	shalt  }
0x65: {  	_ =	shalt  }
0x66: {  	_ =	shalt  }
0x67: {  	_ =	shalt  }
0x68: {  	_ =	shalt  }
0x69: {  	_ =	shalt  }
0x6a: {  	_ =	shalt  }
0x6b: {  	_ =	shalt  }
0x6c: {  	_ =	shalt  }
0x6d: {  	_ =	shalt  }
0x6e: {  	_ =	shalt  }
0x6f: {  	_ =	shalt  }
0x70: {  	_ =	shalt  }
0x71: {  	_ =	shalt  }
0x72: {  	_ =	shalt  }
0x73: {  	_ =	shalt  }
0x74: {  	_ =	shalt  }
0x75: {  	_ =	shalt  }
0x76: {  	_ =	shalt  }
0x77: {  	_ =	shalt  }
0x78: {  	_ =	shalt  }
0x79: {  	_ =	shalt  }
0x7a: {  	_ =	shalt  }
0x7b: {  	_ =	shalt  }
0x7c: {  	_ =	shalt  }
0x7d: {  	_ =	shalt  }
0x7e: {  	_ =	shalt  }
0x7f: {  	_ =	shalt  }
0x80: {  	_ =	shalt  }
0x81: {  	_ =	shalt  }
0x82: {  	_ =	shalt  }
0x83: {  	_ =	shalt  }
0x84: {  	_ =	shalt  }
0x85: {  	_ =	shalt  }
0x86: {  	_ =	shalt  }
0x87: {  	_ =	shalt  }
.Lfunc_end0:
.L_simem_size_0:
called_computation_lowered:
.L_overlay_start_0:
0x88: {  	s2 =	sld [smem:$0x3FD9]  }
0x89: {  	s3 =	sld [smem:$0x3FFE];
	_ =	sdelay $0x1  }
0x8a: {  	s1 =	srdreg.scid  }
0x8b: {  	s0 =	sand.u32 $0x1, s1  }
0x8c: {  	s17 =	sshll.u32 s0, $0xA;
	s2 =	sadd.s32 s3, s2  }
0x8d: {  	s2 =	sadd.s32 s2, s17  }
0x8e: {  	[smem:$0x3FC0] =	sst s2  }
0x8f: {  	_ = 	snop  }
0x90: {  	s2 =	sld [smem:$0x3FC9]  }
0x91: {  	s18 =	sld [smem:$0x3FC8]  }
0x92: {  	s4 =	sld [smem:$0x3FC7]  }
0x93: {  	s5 =	sld [smem:$0x3FC6]  }
0x94: {  	s6 =	sld [smem:$0x3FD0];
	(tm) =	ssettm $0x1  }
0x95: {  	s7 =	sld [smem:$0x3FFB];
	_ =	sdelay $0x3  }
0x96: {  	_ =	strace s7  }
0x97: {  	s7 =	sld [smem:$0x3FFC];
	_ =	sdelay $0x3  }
0x98: {  	_ =	strace s7  }
0x99: {  	s7 =	sld [smem:$0x3FFD];
	_ =	sdelay $0x3  }
0x9a: {  	_ =	strace s7  }
0x9b: {  	_ =	strace $0x8FFFFFFF  }
0x9c: {  	s19 =	sld [smem:$0x3FDB];
	_ =	sdelay $0x1  }
0x9d: {  	s8 =	simm.s32 $_scs_section_size  }
0x9e: {  	s9 =	simm.s32 $_size__tile_overlayer_lowered;
	s10 =	simm.s32 $_tile_overlayer_lowered  }
0x9f: {  	s22 =	simm.s32 $0x1BFF;
	s21 =	sshll.u32 s10, $0x1;
	s7 =	sadd.s32 s8, s19  }
0xa0: {  	s11 =	simm.s32 $0x0;
	s20 =	sshll.u32 s9, $0x1;
	s9 =	sadd.s32 s21, s7  }
0xa1: {  	[timem:s11], [sflag:s22] =	dma.local [hbm:s9], s20  }
0xa2: {  	_ =	swait.ge [sflag:s22], s20  }
0xa3: {  	s8 =	ssub.s32 $0x0, s20;
	[sflag:s22] =	ssyncset.done $0x0  }
0xa4: {  	[sflag:s22] =	ssyncadd.s32 s8;
	_ =	sdelay $0x1  }
0xa5: {  	s23 =	simm.s32 $0x1B8B  }
0xa6: {  	_ =	swait.ge [sflag:s23], $0x1  }
0xa7: {  	[sflag:s23] =	ssyncset.done $0x0  }
0xa8: {  	s25 =	simm.s32 $0x1B8E;
	s24 =	sld [smem:$0x3FFE];
	[sflag:s23] =	ssyncadd.s32 $0xFFFFFFFF  }
0xa9: {  	s26 =	simm.s32 $execute0_lowered;
	[smem:$0x3FD2] =	sst s25  }
0xaa: {  	s9 =	sshll.u32 s26, $0x1;
	_ =	strace $0x80000046;
	[dreg:$0x1] =	wrdreg $0xFFFFFFFF  }
0xab: {  	s28 =	simm.s32 $_size_execute0_lowered;
	s7 =	sadd.s32 s7, s9;
	[dreg:$0x0] =	wrdreg $0x0  }
0xac: {  	s9 =	sshll.u32 s28, $0x1;
	[dreg:$0x2] =	wrdreg s7  }
0xad: {  	[dreg:$0x3] =	wrdreg s9  }
0xae: {  	[dreg:$0x4] =	wrdreg $0xC0  }
0xaf: {  	_ =	task [dreg:s11], $0x5FFFF  }
0xb0: {  	[dreg:$0x1] =	wrdreg $0xFFFFFFFF  }
0xb1: {  	[dreg:$0x0] =	wrdreg $0x60  }
0xb2: {  	[dreg:$0x2] =	wrdreg s2  }
0xb3: {  	[dreg:$0x3] =	wrdreg s18  }
0xb4: {  	[dreg:$0x4] =	wrdreg s4  }
0xb5: {  	[dreg:$0x5] =	wrdreg s5  }
0xb6: {  	[dreg:$0x6] =	wrdreg s6  }
0xb7: {  	[dreg:$0x7] =	wrdreg s24  }
0xb8: {  	[dreg:$0x8] =	wrdreg $0x1D8800  }
0xb9: {  	[dreg:$0x9] =	wrdreg $0x9  }
0xba: {  	_ =	task.clear_ibuf [dreg:s11], $0xAFFFF;
	_ =	strace $0x90000046  }
0xbb: {  	s29 =	simm.s32 $0x9;
	_ =	strace $0x80000048  }
0xbc: {  	_ =	swait.ge [sflag:s29], $0x1  }
0xbd: {  	[sflag:s29] =	ssyncadd.s32 $0xFFFFFFFF  }
0xbe: {  	_ =	strace $0x90000048  }
0xbf: {  	_ =	sfence  }
0xc0: {  	s30 =	sld [smem:$0x0];
	_ =	sdelay $0x2  }
0xc1: {  	s31 =	sshll.u32 s1, $0xD;
	s1 =	sshrl.u32 s1, $0x2  }
0xc2: {  	s3 =	sand.u32 $0x4000, s31;
	s1 =	sadd.s32 s1, s30  }
0xc3: {  	s0 =	sor.u32 s3, s0;
	s1 =	sshll.u32 s1, $0x11  }
0xc4: {  	s0 =	sor.u32 s1, s0  }
0xc5: {  	s0 =	sadd.s32 $0x8F2B, s0  }
0xc6: {  	[sflag:s0] =	ssyncadd.remote.s32 $0x1  }
0xc7: {  	_ =	sfence.sel $0xFFFF  }
0xc8: {  	[dreg:$0x0] =	wrdreg $0xFFFFFFFF;
	(pc) =	sbr.abs _section_cstart, $3  }
0xc9: {  	[dreg:$0x1] =	wrdreg $0xFFFFFFFF  }
0xca: {  	_ =	task.clear_ibuf [dreg:s11], $0x2FFFF;
	_ =	strace $0x9FFFFFFF  }
0xcb: {  	(tm) =	ssettm $0x7FFFFFFF  }
tec
execute0_lowered:
.L_overlay_start_1:
0x0: {  	(tag) =	ssettag $0x1  }
0x1: {  	s1 =	rddreg [dreg:$0x1]  }
0x2: {  	s3 =	rddreg [dreg:$0x2]  }
0x3: {  	s4 =	rddreg [dreg:$0x3]  }
0x4: {  	s0 =	rddreg [dreg:$0x5]  }
0x5: {  	s6 =	rddreg [dreg:$0x6]  }
0x6: {  	s2 =	srdreg.scid;
	s5 =	stileid.u32;
	s7 =	simm.s32 $0x0  }
0x7: {  	s29 =	simm.s32 $0x1B880;
	s30 =	simm.s32 $0x1;
	s31 =	simm.s32 $0x18800  }
0x8: {  	s19 =	simm.s32 $0x1D080;
	s20 =	simm.s32 $0x1C080;
	s2 =	sand.u32 $0x1, s2  }
0x9: {  	s8 =	sshll.u32 s5, $0x1;
	[smem:$0x7FF] =	sst s7;
	s9 =	sadd.s32 $0x400, s0  }
0xa: {  	p0 =	sne.s32 s5, $0x0;
	s5 =	simm.s32 $0x2;
	s8 =	sor.u32 s2, s8  }
0xb: {  	_ =	strace $0x80000047;
	s21 =	sshll.u32 s2, $0x4;
	s2 =	ssub.s32 $0x2, s2  }
0xc: {  	s8 =	smul.u32 $0x30D40, s8;
	s0 =	sadd.s32 s21, s0;
	s22 =	sshrl.u32 s2, $0x1  }
0xd: {  	[dreg:$0x8] =	wrdreg s9;
	s2 =	ssub.s32 s2, s22;
	s0 =	sadd.s32 $0x600, s0  }
0xe: {  	s10 =	sshrl.u32 s8, $0x3;
	[dreg:$0xf] =	wrdreg s0;
	s28 =	smax.u32 s2, $0x1  }
0xf: {  	s15 =	sadd.s32 $0xFA0, s8;
	s23 =	sadd.s32 s3, s10;
	[dreg:$0x10] =	wrdreg s28  }
0x10: {  	s24 =	sadd.s32 $0xFA, s10;
	s11 =	sadd.s32 s4, s10;
	[dreg:$0x9] =	wrdreg s23  }
.Ltmp0:
0x11: {  	s10 =	sadd.s32 s1, s10;
	[dreg:$0xa] =	wrdreg s11;
	(pc) =	sbr.rel .LBB2_1-.Ltmp0, $4  }
0x12: {  	s16 =	sadd.s32 $0x1770, s8;
	[dreg:$0xb] =	wrdreg s10;
	s25 =	sadd.s32 s3, s24  }
0x13: {  	s2 =	simm.s32 $0x7D0;
	s26 =	sadd.s32 s4, s24;
	[dreg:$0xc] =	wrdreg s25  }
0x14: {  	s0 =	simm.s32 $0x1C880;
	s9 =	sadd.s32 s1, s24;
	[dreg:$0xd] =	wrdreg s26  }
0x15: {  	v0 =	vimm.f32 $0.0e+00;
	s10 =	simm.s32 $0x0;
	[dreg:$0xe] =	wrdreg s9;
	s25 =	simm.s32 $0x5  }
.LBB2_18:
0x16: {  	s8 =	simm.s32 $0x3  }
0x17: {  	_ =	swait.ge [sflag:s8], $0x7D0  }
0x18: {  	[sflag:s8] =	ssyncset.done $0x0  }
0x19: {  	s24 =	simm.s32 $0x4;
	[sflag:s8] =	ssyncadd.s32 $0xFFFFF830  }
0x1a: {  	_ =	swait.ge [sflag:s24], $0x7D0  }
0x1b: {  	[sflag:s24] =	ssyncset.done $0x0  }
0x1c: {  	s9 =	simm.s32 @!p0 $0x1;
	[sflag:s24] =	ssyncadd.s32 $0xFFFFF830  }
0x1d: {  	s10 =	simm.s32 @!p0 $0x20;
	s11 =	simm.s32 @!p0 $0x10;
	[bflag:$0x0] =	sbarrier.arrive $0xFFFF  }
0x1e: {  	s12 =	simm.s32 @!p0 $0x1C05;
	s8 =	sshrl.u32 @!p0 s6, $0x3;
	s13 =	rddreg [dreg:$0xf]  }
0x1f: {  	[hbm:s13@s10], [sflag:s12] =	dma.strided @!p0 [spmem:s8@s11], $0x30E0, s9, $0x10   }
0x20: {  	s8 =	simm.s32 @!p0 $0x5  }
0x21: {  	_ =	swait.ge @!p0 [sflag:s8], $0x30E0  }
0x22: {  	s26 =	rddreg [dreg:$0x11]  }
0x23: {  	s28 =	rddreg [dreg:$0x10];
	s10 =	sadd.s32 $0x1, s26  }
0x24: {  	p1 =	sne.s32 s10, s28  }
.Ltmp1:
0x25: {  	_ = 	snop;
	(pc) =	sbr.rel @!p1 .LBB2_19-.Ltmp1, $3  }
0x26: {  	_ =	sdelay $0x1  }
0x27: {  	[sflag:s8] =	ssyncset.done @!p0 $0x0  }
0x28: {  	v0 =	vimm.f32 $0.0e+00;
	[sflag:s8] =	ssyncadd.s32 @!p0 $0xFFFFCF20  }
.LBB2_1:
0x29: {  	[dreg:$0x11] =	wrdreg s10  }
0x2a: {  	s8 =	rddreg [dreg:$0x9];
	s9 =	simm.s32 $0x18880  }
0x2b: {  	[tilespmem:s9], [sflag:$0x1] =	stream.linear.gather [hbm4b:s8+s7], $0x7D0, $0x38;
	[tilespmem:$0x1F0F0] =	vst v63  }
0x2c: {  	s26 =	rddreg [dreg:$0xa];
	s28 =	simm.s32 $0x19880  }
0x2d: {  	[tilespmem:s28], [sflag:$0x1] =	stream.linear.gather [hbm4b:s26+s7], $0x7D0, $0x38;
	[tilespmem:$0x1F0F0] =	vst v63  }
0x2e: {  	s10 =	rddreg [dreg:$0xb];
	s11 =	simm.s32 $0x1A880  }
0x2f: {  	[tilespmem:s11], [sflag:$0x1] =	stream.linear.gather [hbm4b:s10+s7], $0x7D0, $0x38;
	[tilespmem:$0x1F0F0] =	vst v63  }
0x30: {  	s12 =	rddreg [dreg:$0xc];
	s13 =	simm.s32 $0x19080  }
0x31: {  	[tilespmem:s13], [sflag:$0x2] =	stream.linear.gather [hbm4b:s12+s7], $0x7D0, $0x38;
	[tilespmem:$0x1F0F0] =	vst v63  }
0x32: {  	s14 =	rddreg [dreg:$0xd];
	s17 =	simm.s32 $0x1A080  }
0x33: {  	[tilespmem:s17], [sflag:$0x2] =	stream.linear.gather [hbm4b:s14+s7], $0x7D0, $0x38;
	[tilespmem:$0x1F0F0] =	vst v63  }
0x34: {  	s18 =	rddreg [dreg:$0xe];
	s21 =	simm.s32 $0x1B080  }
0x35: {  	[tilespmem:s21], [sflag:$0x2] =	stream.linear.gather [hbm4b:s18+s7], $0x7D0, $0x38;
	[tilespmem:$0x1F0F0] =	vst v63  }
0x36: {  	s22 =	rddreg [dreg:$0x0]  }
0x37: {  	[tilespmem:s7], [sflag:$0x5] =	stream.linear.gather [hbm4b:s22+s7], $0x18700, $0x38;
	[tilespmem:$0x1F0F0] =	vst v63  }
0x38: {  	_ =	swait.ge [sflag:s25], $0x18700  }
0x39: {  	[sflag:s25] =	ssyncset.done $0x0  }
0x3a: {  	[sflag:s25] =	ssyncadd.s32 $0xFFFE7900  }
0x3b: {  	s24 =	simm.s32 $0x18700;
	s23 =	rddreg [dreg:$0x4]  }
0x3c: {  	[tilespmem:s24], [sflag:$0x5] =	stream.linear.gather [hbm4b:s23+s7], $0x80, $0x38;
	[tilespmem:$0x1F0F0] =	vst v63  }
0x3d: {  	_ =	swait.ge [sflag:s25], $0x80  }
0x3e: {  	[sflag:s25] =	ssyncset.done $0x0  }
0x3f: {  	s28 =	simm.s32 $0x18780;
	s26 =	rddreg [dreg:$0x8];
	[sflag:s25] =	ssyncadd.s32 $0xFFFFFF80  }
0x40: {  	[tilespmem:s28], [sflag:$0x5] =	stream.linear.gather [hbm4b:s26+s7], $0x80, $0x38;
	[tilespmem:$0x1F0F0] =	vst v63  }
0x41: {  	_ =	swait.ge [sflag:s25], $0x80  }
0x42: {  	[sflag:s25] =	ssyncset.done $0x0  }
0x43: {  	[sflag:s25] =	ssyncadd.s32 $0xFFFFFF80  }
0x44: {  	v8 =	vld [tilespmem:$0x18700];
	_ =	sdelay $0x1  }
0x45: {  	v1 =	vld [tilespmem:$0x18780]  }
0x46: {  	v2 =	vld [tilespmem:$0x18790];
	_ =	sdelay $0x1  }
0x47: {  	v3 =	vbroadcast v8, $0x0  }
0x48: {  	v4 =	vld [tilespmem:$0x187A0]  }
0x49: {  	v5 =	vld [tilespmem:$0x187B0];
	v1 =	vmul.f32 v1, v3  }
0x4a: {  	v6 =	vld [tilespmem:$0x187C0];
	v2 =	vmul.f32 v2, v3  }
0x4b: {  	v7 =	vld [tilespmem:$0x187D0];
	v1 =	vmul.f32 $1.442695020e+00, v1  }
0x4c: {  	v2 =	vmul.f32 $1.442695020e+00, v2  }
0x4d: {  	(erf) = vpow2.f32 v1;
	v1 =	vmul.f32 v4, v3  }
0x4e: {  	(erf) = vpow2.f32 v2;
	v2 =	vmul.f32 v5, v3  }
0x4f: {  	v59 =	vmul.f32 v6, v3;
	v1 =	vmul.f32 $1.442695020e+00, v1  }
0x50: {  	v3 =	vmul.f32 v7, v3;
	v2 =	vmul.f32 $1.442695020e+00, v2  }
0x51: {  	(erf) = vpow2.f32 v1;
	v1 =	vmul.f32 $1.442695020e+00, v59  }
0x52: {  	(erf) = vpow2.f32 v2;
	v2 =	vmul.f32 $1.442695020e+00, v3  }
0x53: {  	(erf) = vpow2.f32 v1  }
0x54: {  	(erf) = vpow2.f32 v2;
	_ =	sdelay $0x2  }
0x55: {  	v1 =	vbroadcast v8, $0x1  }
0x56: {  	v2 =	vpop (erf)  }
0x57: {  	v3 =	vpop (erf);
	v2 =	vmul.f32 v2, v1  }
0x58: {  	v3 =	vmul.f32 v3, v1;
	v60 =	vpop (erf)  }
0x59: {  	[tilespmem:$0x18800] =	vst v2;
	v61 =	vpop (erf);
	v2 =	vmul.f32 v60, v1  }
0x5a: {  	[tilespmem:$0x18810] =	vst v3;
	v62 =	vpop (erf);
	v3 =	vmul.f32 v61, v1  }
0x5b: {  	[tilespmem:$0x18820] =	vst v2;
	v2 =	vmul.f32 v62, v1;
	v63 =	vpop (erf)  }
0x5c: {  	[tilespmem:$0x18830] =	vst v3;
	v1 =	vmul.f32 v63, v1  }
0x5d: {  	[tilespmem:$0x18840] =	vst v2  }
0x5e: {  	s8 =	simm.s32 $0x40;
	s12 =	simm.s32 $0x0;
	[tilespmem:$0x18850] =	vst v1  }
.LBB2_2:
0x5f: {  	p1 =	sne.s32 s8, $0x1F00;
	[tilespmem:s12+$0x1B880] =	vst v0;
	s9 =	smov.u32 s8;
	s8 =	sadd.s32 $0x40, s8  }
.Ltmp2:
0x60: {  	(pc) =	sbr.rel @p1 .LBB2_2-.Ltmp2, $2  }
0x61: {  	_ =	sdelay $0x2  }
0x62: {  	s12 =	sshra.s32 s9, $0x2  }
0x63: {  	(v2sf) =	vpush v8, $0x6  }
0x64: {  	(v2sf) =	vpush v8, $0x7  }
0x65: {  	(v2sf) =	vpush v8, $0x8  }
0x66: {  	(v2sf) =	vpush v8, $0x9;
	_ =	sdelay $0xa  }
.Ltmp3:
0x67: {  	_ = 	snop;
	(pc) =	sbr.rel @p0 .LBB2_7-.Ltmp3, $4  }
0x68: {  	s9 =	spop (v2sf)  }
0x69: {  	s10 =	spop (v2sf)  }
0x6a: {  	s11 =	spop (v2sf)  }
0x6b: {  	[tilespmem:s12+$0x1B880] =	vst v0;
	s8 =	spop (v2sf)  }
0x6c: {  	s12 =	sadd.s32 $0x0, s6  }
0x6d: {  	[spmem:s12] =	stream.linear.scatter [tilespmem:s29], [sflag:$0x5], $0x7D0, $0x38;
	[tilespmem:$0x1F0F0] =	vst v63  }
0x6e: {  	s12 =	simm.s32 $0x1F40;
	_ =	swait.ge [sflag:s25], $0x7D0  }
.LBB2_5:
0x6f: {  	s13 =	sshra.s32 s12, $0x2;
	[sflag:s25] =	ssyncset.done $0x0;
	p1 =	sne.s32 s12, $0x5FB40  }
.Ltmp4:
0x70: {  	s13 =	sadd.s32 s13, s6;
	[sflag:s25] =	ssyncadd.s32 $0xFFFFF830;
	(pc) =	sbr.rel @p1 .LBB2_5-.Ltmp4, $3  }
0x71: {  	[spmem:s13] =	stream.linear.scatter [tilespmem:s29], [sflag:$0x5], $0x7D0, $0x38;
	[tilespmem:$0x1F0F0] =	vst v63  }
0x72: {  	s12 =	sadd.s32 $0x1F40, s12;
	_ =	sdelay $0x1  }
0x73: {  	_ =	swait.ge [sflag:s25], $0x7D0  }
0x74: {  	[sflag:s25] =	ssyncset.done $0x0  }
0x75: {  	[sflag:s25] =	ssyncadd.s32 $0xFFFFF830  }
.LBB2_7:
0x76: {  	s9 =	ssub.f32 $0.0e+00, s9  }
0x77: {  	s10 =	ssub.f32 $0.0e+00, s10  }
0x78: {  	s11 =	ssub.f32 $0.0e+00, s11  }
0x79: {  	v2 =	vbroadcast v8, $0x2;
	s8 =	ssub.f32 $0.0e+00, s8;
	v4 =	vbroadcast v8, $0x3  }
0x7a: {  	v6 =	vbroadcast v8, $0x4;
	v8 =	vbroadcast v8, $0x5;
	v1 =	vmov s9  }
0x7b: {  	[bflag:$0x0] =	sbarrier.arrive $0xFFFF;
	v3 =	vmov s10;
	v5 =	vmov s11;
	v7 =	vmov s8;
	s8 =	simm.s32 $0x0  }
.LBB2_8:
0x7c: {  	_ =	swait.ge [sflag:s30], $0x7D0  }
0x7d: {  	[sflag:s30] =	ssyncset.done $0x0  }
0x7e: {  	[sflag:s30] =	ssyncadd.s32 $0xFFFFF830  }
0x7f: {  	_ =	swait.ge [sflag:s30], $0x7D0  }
0x80: {  	[sflag:s30] =	ssyncset.done $0x0  }
0x81: {  	[sflag:s30] =	ssyncadd.s32 $0xFFFFF830  }
0x82: {  	_ =	swait.ge [sflag:s30], $0x7D0  }
0x83: {  	p1 =	seq.s32 s8, $0x0;
	[sflag:s30] =	ssyncset.done $0x0  }
0x84: {  	s9 =	simm.s32 @!p1 $0x3;
	[sflag:s30] =	ssyncadd.s32 $0xFFFFF830  }
0x85: {  	_ =	swait.ge @!p1 [sflag:s9], $0x7D0  }
0x86: {  	[sflag:s9] =	ssyncset.done @!p1 $0x0  }
0x87: {  	s11 =	simm.s32 $0x188C0;
	[sflag:s9] =	ssyncadd.s32 @!p1 $0xFFFFF830  }
0x88: {  	v0 =	vld [tilespmem:s11+$0x30];
	_ =	sdelay $0x4  }
0x89: {  	s9 =	simm.s32 $0x198C0;
	[tilespmem:$0x1FFF0] =	vst v0  }
0x8a: {  	v9 =	vld [tilespmem:s9+$0x30]  }
0x8b: {  	v16 =	vld [tilespmem:s9+$0xFFFFFFC0]  }
0x8c: {  	v13 =	vld [tilespmem:s11+$0xFFFFFFD0]  }
0x8d: {  	v17 =	vld [tilespmem:s9+$0xFFFFFFD0]  }
0x8e: {  	v12 =	vld [tilespmem:s11+$0xFFFFFFE0]  }
0x8f: {  	v18 =	vld [tilespmem:s9+$0xFFFFFFE0]  }
0x90: {  	v11 =	vld [tilespmem:s11+$0xFFFFFFF0]  }
0x91: {  	v21 =	vld [tilespmem:s9+$0xFFFFFFF0]  }
0x92: {  	v10 =	vld [tilespmem:s11+$0x0]  }
0x93: {  	v22 =	vld [tilespmem:s9+$0x0]  }
0x94: {  	v19 =	vld.idx.msk [tilespmem:v0+s7+$0x0], $0xffff  }
0x95: {  	v20 =	vld.idx.msk [tilespmem:v9+s7+$0x0], $0xffff  }
0x96: {  	v23 =	vld [tilespmem:s9+$0x10]  }
0x97: {  	v26 =	vld [tilespmem:s9+$0x20]  }
0x98: {  	s10 =	simm.s32 $0x1A8C0;
	v14 =	vld [tilespmem:s11+$0xFFFFFFC0]  }
0x99: {  	v27 =	vld [tilespmem:s10+$0x30]  }
0x9a: {  	v0 =	vld [tilespmem:s11+$0x10]  }
0x9b: {  	v9 =	vld [tilespmem:s11+$0x20]  }
0x9c: {  	v24 =	vld.idx.msk [tilespmem:v19+s31+$0x0], $0xffff  }
0x9d: {  	v25 =	vld.idx.msk [tilespmem:v20+s31+$0x0], $0xffff  }
0x9e: {  	v16 =	vld.idx.msk [tilespmem:v16+s7+$0x0], $0xffff;
	[tilespmem:$0x1FF90] =	vst v13  }
0x9f: {  	v28 =	vld.idx.msk [tilespmem:v13+s7+$0x0], $0xffff  }
0xa0: {  	v17 =	vld.idx.msk [tilespmem:v17+s7+$0x0], $0xffff;
	[tilespmem:$0x1FFA0] =	vst v12  }
0xa1: {  	v18 =	vld.idx.msk [tilespmem:v18+s7+$0x0], $0xffff  }
0xa2: {  	v24 =	vadd.f32 v25, v24;
	v25 =	vld.idx.msk [tilespmem:v12+s7+$0x0], $0xffff;
	[tilespmem:$0x1FFB0] =	vst v11  }
0xa3: {  	v29 =	vld.idx.msk [tilespmem:v11+s7+$0x0], $0xffff  }
0xa4: {  	v39 =	vsub.f32 $5.000000000e+00, v27;
	v30 =	vld.idx.msk [tilespmem:v14+s7+$0x0], $0xffff  }
0xa5: {  	v21 =	vld.idx.msk [tilespmem:v21+s7+$0x0], $0xffff;
	[tilespmem:$0x1FFC0] =	vst v10  }
0xa6: {  	v40 =	vmul.f32 $6.666666860e-01, v39;
	v35 =	vld.idx.msk [tilespmem:v10+s7+$0x0], $0xffff  }
0xa7: {  	v22 =	vld.idx.msk [tilespmem:v22+s7+$0x0], $0xffff;
	[tilespmem:$0x1FFD0] =	vst v0  }
0xa8: {  	v39 =	vmul.f32 $6.000000000e+00, v40;
	v38 =	vld.idx.msk [tilespmem:v0+s7+$0x0], $0xffff  }
0xa9: {  	v19 =	vcvt.s32.f32 v19;
	v24 =	vmul.f32 v24, v27;
	v23 =	vld.idx.msk [tilespmem:v23+s7+$0x0], $0xffff;
	[tilespmem:$0x1FFE0] =	vst v9  }
0xaa: {  	v33 =	vcvt.s32.f32 v16;
	v20 =	vcvt.s32.f32 v20;
	v58 =	vld.idx.msk [tilespmem:v9+s7+$0x0], $0xffff  }
0xab: {  	v32 =	vmul.f32 v24, v1;
	v34 =	vmul.f32 v24, v3;
	v26 =	vld.idx.msk [tilespmem:v26+s7+$0x0], $0xffff  }
0xac: {  	v37 =	vmul.f32 v24, v5;
	v24 =	vmul.f32 v24, v7;
	v16 =	vld.idx.msk [tilespmem:v16+s31+$0x0], $0xffff  }
0xad: {  	v46 =	vld.idx.msk [tilespmem:v18+s31+$0x0], $0xffff;
	v32 =	vmul.f32 $1.442695020e+00, v32;
	v34 =	vmul.f32 $1.442695020e+00, v34  }
0xae: {  	v57 =	vmul.f32 $1.442695020e+00, v37;
	v37 =	vcvt.s32.f32 v17;
	v17 =	vld.idx.msk [tilespmem:v17+s31+$0x0], $0xffff  }
0xaf: {  	v41 =	vcvt.s32.f32 v25;
	(erf) = vpow2.f32 v32;
	v25 =	vld.idx.msk [tilespmem:v25+s31+$0x0], $0xffff  }
0xb0: {  	v24 =	vmul.f32 $1.442695020e+00, v24;
	(erf) = vpow2.f32 v34;
	v59 =	vld.idx.msk [tilespmem:v30+s31+$0x0], $0xffff  }
0xb1: {  	v19 =	vmul.f32 v20, v19;
	v51 =	vld.idx.msk [tilespmem:v21+s31+$0x0], $0xffff;
	(erf) = vpow2.f32 v57  }
0xb2: {  	v36 =	vcvt.s32.f32 v28;
	(erf) = vpow2.f32 v24;
	v24 =	vld.idx.msk [tilespmem:v28+s31+$0x0], $0xffff  }
0xb3: {  	v39 =	vadd.f32 $-1.500000000e+01, v39;
	v42 =	vcvt.s32.f32 v29;
	v43 =	vcvt.s32.f32 v21;
	v53 =	vld.idx.msk [tilespmem:v38+s31+$0x0], $0xffff  }
0xb4: {  	v44 =	vcvt.s32.f32 v35;
	v54 =	vcvt.s32.f32 v26;
	v56 =	vld.idx.msk [tilespmem:v58+s31+$0x0], $0xffff  }
0xb5: {  	v28 =	vcvt.s32.f32 v18;
	v18 =	vmul.f32 v39, v40;
	v26 =	vld.idx.msk [tilespmem:v26+s31+$0x0], $0xffff  }
0xb6: {  	v45 =	vcvt.s32.f32 v22;
	v47 =	vcvt.s32.f32 v38;
	v38 =	vld [tilespmem:s10+$0xFFFFFFE0]  }
0xb7: {  	v48 =	vcvt.s32.f32 v23;
	v34 =	vld [tilespmem:s10+$0x20];
	(erf) = vrcp.f32 v27;
	v18 =	vadd.f32 $1.000000000e+01, v18  }
0xb8: {  	v30 =	vcvt.s32.f32 v30;
	v49 =	vcvt.s32.f32 v58;
	v39 =	vld [tilespmem:s10+$0xFFFFFFC0];
	v25 =	vadd.f32 v46, v25;
	v61 =	vpop (erf)  }
0xb9: {  	v63 =	vld.idx.msk [tilespmem:v35+s31+$0x0], $0xffff;
	v18 =	vmul.f32 v18, v40;
	v24 =	vadd.f32 v17, v24;
	v17 =	vmul.f32 v37, v36;
	v50 =	vpop (erf)  }
0xba: {  	v52 =	vld.idx.msk [tilespmem:v22+s31+$0x0], $0xffff;
	v26 =	vadd.f32 v26, v56;
	v21 =	vmul.f32 v61, v2;
	v62 =	vmul.f32 v50, v4  }
0xbb: {  	v25 =	vmul.f32 v25, v38;
	v18 =	vmul.f32 v18, v40;
	v60 =	vpop (erf)  }
0xbc: {  	v23 =	vld.idx.msk [tilespmem:v23+s31+$0x0], $0xffff;
	v26 =	vmul.f32 v26, v34;
	v22 =	vmul.f32 v60, v6;
	v21 =	vadd.f32 v62, v21  }
0xbd: {  	v35 =	vld [tilespmem:s10+$0x0];
	v55 =	vadd.f32 v16, v59;
	v61 =	vmul.f32 v25, v3;
	v16 =	vpop (erf);
	(erf) = vrcp.f32 v39  }
0xbe: {  	v36 =	vld [tilespmem:s10+$0x10];
	v60 =	vmul.f32 v26, v3;
	v20 =	vadd.f32 v21, v22;
	v21 =	vmul.f32 v16, v8  }
0xbf: {  	v29 =	vld.idx.msk [tilespmem:v29+s31+$0x0], $0xffff;
	v59 =	vmul.f32 v26, v1;
	v16 =	vmul.f32 v33, v30;
	v30 =	vadd.f32 v52, v63  }
0xc0: {  	v52 =	vmul.f32 $1.442695020e+00, v60;
	v22 =	vpop (erf);
	v20 =	vadd.f32 v20, v21;
	v21 =	vmul.f32 v18, v40  }
0xc1: {  	v37 =	vld [tilespmem:s10+$0xFFFFFFF0];
	v23 =	vadd.f32 v23, v53;
	v22 =	vmul.f32 v19, v22;
	v18 =	vmul.f32 v28, v41  }
0xc2: {  	v19 =	vmul.f32 v43, v42;
	v30 =	vmul.f32 v30, v35  }
0xc3: {  	vm0 =	vge.f32 v27, $5.000000000e+00;
	v43 =	vmul.f32 v23, v36;
	v23 =	vmul.f32 v25, v1  }
0xc4: {  	v28 =	vadd.f32 v51, v29;
	v51 =	vmul.f32 $1.442695020e+00, v59;
	v59 =	vmul.f32 v26, v5  }
0xc5: {  	vm1 =	vlt.f32 v27, $3.500000000e+00;
	v33 =	vld [tilespmem:s10+$0xFFFFFFD0];
	v27 =	vmul.f32 v20, v22;
	v22 =	vmul.f32 v45, v44  }
0xc6: {  	v20 =	vmul.f32 v48, v47;
	v28 =	vmul.f32 v28, v37  }
0xc7: {  	v32 =	vmul.f32 v30, v1;
	v56 =	vmul.f32 v30, v3  }
0xc8: {  	v57 =	vmul.f32 v43, v1;
	v58 =	vmul.f32 v43, v3  }
0xc9: {  	v21 =	vsel vm0, $0x0, v21;
	v23 =	vmul.f32 $1.442695020e+00, v23;
	v44 =	vmul.f32 $1.442695020e+00, v61  }
0xca: {  	v60 =	vmul.f32 v30, v7;
	v21 =	vsel vm1, $0x3F800000, v21;
	v24 =	vmul.f32 v24, v33  }
0xcb: {  	v9 =	vmul.f32 v27, v21;
	v27 =	vmul.f32 v55, v39  }
0xcc: {  	v21 =	vmul.f32 v54, v49;
	v62 =	vmul.f32 v28, v1  }
0xcd: {  	v63 =	vmul.f32 v28, v3;
	v47 =	vmul.f32 $1.442695020e+00, v32  }
0xce: {  	v48 =	vmul.f32 $1.442695020e+00, v56;
	v49 =	vmul.f32 $1.442695020e+00, v57  }
0xcf: {  	v50 =	vmul.f32 $1.442695020e+00, v58;
	v32 =	vmul.f32 v28, v5  }
0xd0: {  	v57 =	vmul.f32 v30, v5;
	v58 =	vmul.f32 v43, v5  }
0xd1: {  	v43 =	vmul.f32 v43, v7;
	v41 =	vmul.f32 v24, v1  }
0xd2: {  	v42 =	vmul.f32 v24, v3;
	v29 =	vmul.f32 v27, v1  }
0xd3: {  	v40 =	vmul.f32 v27, v3;
	v45 =	vmul.f32 $1.442695020e+00, v62  }
0xd4: {  	v46 =	vmul.f32 $1.442695020e+00, v63;
	v61 =	vmul.f32 v27, v5  }
0xd5: {  	v62 =	vmul.f32 v24, v5;
	v63 =	vmul.f32 v25, v5  }
0xd6: {  	v55 =	vmul.f32 $1.442695020e+00, v58;
	v43 =	vmul.f32 $1.442695020e+00, v43  }
0xd7: {  	v41 =	vmul.f32 $1.442695020e+00, v41;
	v29 =	vmul.f32 $1.442695020e+00, v29  }
0xd8: {  	v42 =	vmul.f32 $1.442695020e+00, v42;
	v40 =	vmul.f32 $1.442695020e+00, v40  }
0xd9: {  	v53 =	vmul.f32 $1.442695020e+00, v61;
	(erf) = vpow2.f32 v29  }
0xda: {  	v56 =	vsub.f32 $5.000000000e+00, v35;
	v54 =	vmul.f32 $1.442695020e+00, v62;
	(erf) = vpow2.f32 v40  }
0xdb: {  	v29 =	vsub.f32 $5.000000000e+00, v39;
	v40 =	vmul.f32 $1.442695020e+00, v63;
	v63 =	vmul.f32 v26, v7  }
0xdc: {  	v26 =	vmul.f32 $6.666666860e-01, v56;
	(erf) = vpow2.f32 v41  }
0xdd: {  	v41 =	vmul.f32 $1.442695020e+00, v32;
	v30 =	vmul.f32 $6.666666860e-01, v29  }
0xde: {  	(erf) = vpow2.f32 v42;
	v42 =	vmul.f32 $1.442695020e+00, v57  }
0xdf: {  	(erf) = vpow2.f32 v23;
	v58 =	vmul.f32 $6.000000000e+00, v30  }
0xe0: {  	(erf) = vpow2.f32 v44;
	v44 =	vmul.f32 $1.442695020e+00, v59  }
0xe1: {  	(erf) = vpow2.f32 v45;
	v45 =	vmul.f32 v27, v7  }
0xe2: {  	v27 =	vsub.f32 $5.000000000e+00, v33;
	(erf) = vpow2.f32 v46;
	v46 =	vmul.f32 v24, v7  }
0xe3: {  	v62 =	vsub.f32 $5.000000000e+00, v34;
	(erf) = vpow2.f32 v47;
	v47 =	vmul.f32 v25, v7  }
0xe4: {  	v24 =	vsub.f32 $5.000000000e+00, v38;
	v29 =	vmul.f32 $6.666666860e-01, v27;
	v45 =	vmul.f32 $1.442695020e+00, v45  }
0xe5: {  	(erf) = vpow2.f32 v48;
	v48 =	vmul.f32 v28, v7  }
0xe6: {  	vm7 =	vlt.f32 v34, $3.500000000e+00;
	v23 =	vpop (erf);
	v28 =	vmul.f32 $6.666666860e-01, v24;
	v24 =	vmul.f32 $6.666666860e-01, v62  }
0xe7: {  	v25 =	vsub.f32 $5.000000000e+00, v37;
	v10 =	vpop (erf);
	v46 =	vmul.f32 $1.442695020e+00, v46;
	(erf) = vpow2.f32 v49  }
0xe8: {  	v61 =	vsub.f32 $5.000000000e+00, v36;
	v62 =	vmul.f32 $6.000000000e+00, v26;
	v11 =	vpop (erf);
	(erf) = vpow2.f32 v50  }
0xe9: {  	vm2 =	vge.f32 v35, $5.000000000e+00;
	v27 =	vmul.f32 $6.666666860e-01, v25;
	v12 =	vpop (erf);
	(erf) = vpow2.f32 v51  }
0xea: {  	vm9 =	vlt.f32 v35, $3.500000000e+00;
	v25 =	vmul.f32 $6.666666860e-01, v61;
	v13 =	vpop (erf);
	(erf) = vpow2.f32 v52  }
0xeb: {  	vm6 =	vge.f32 v39, $5.000000000e+00;
	v59 =	vmul.f32 $6.000000000e+00, v29;
	v0 =	vpop (erf);
	(erf) = vpow2.f32 v53  }
0xec: {  	vm4 =	vge.f32 v38, $5.000000000e+00;
	v32 =	vmul.f32 $6.000000000e+00, v27;
	(erf) = vpow2.f32 v54;
	v54 =	vpop (erf)  }
0xed: {  	vm13 =	vlt.f32 v39, $3.500000000e+00;
	v39 =	vmul.f32 $6.000000000e+00, v28;
	(erf) = vpow2.f32 v40;
	v52 =	vpop (erf)  }
0xee: {  	v49 =	vadd.f32 $-1.500000000e+01, v32;
	v40 =	vmul.f32 $1.442695020e+00, v47;
	(erf) = vpow2.f32 v41;
	v50 =	vpop (erf)  }
0xef: {  	vm12 =	vlt.f32 v38, $3.500000000e+00;
	v47 =	vmul.f32 $1.442695020e+00, v63;
	(erf) = vpow2.f32 v42;
	v57 =	vpop (erf)  }
0xf0: {  	vm3 =	vge.f32 v37, $5.000000000e+00;
	v51 =	vmul.f32 v49, v27;
	(erf) = vpow2.f32 v55;
	v53 =	vpop (erf)  }
0xf1: {  	vm8 =	vlt.f32 v37, $3.500000000e+00;
	v42 =	vmul.f32 $1.442695020e+00, v60;
	(erf) = vpow2.f32 v44;
	v60 =	vpop (erf)  }
0xf2: {  	vm10 =	vlt.f32 v36, $3.500000000e+00;
	v41 =	vmul.f32 $1.442695020e+00, v48;
	v61 =	vpop (erf);
	(erf) = vpow2.f32 v45  }
0xf3: {  	v48 =	vmul.f32 $6.000000000e+00, v24;
	v44 =	vadd.f32 $-1.500000000e+01, v58;
	v63 =	vpop (erf);
	(erf) = vpow2.f32 v46  }
0xf4: {  	v45 =	vmul.f32 $6.000000000e+00, v25;
	v46 =	vadd.f32 $-1.500000000e+01, v59;
	v55 =	vpop (erf);
	(erf) = vpow2.f32 v40  }
0xf5: {  	v15 =	vmovc v14;
	v44 =	vmul.f32 v44, v30;
	v40 =	vadd.f32 $-1.500000000e+01, v39;
	(erf) = vpow2.f32 v41  }
0xf6: {  	v56 =	vpop (erf);
	v41 =	vadd.f32 $-1.500000000e+01, v62;
	v39 =	vmul.f32 v46, v29;
	(erf) = vpow2.f32 v42  }
0xf7: {  	v46 =	vadd.f32 $-1.500000000e+01, v48;
	v14 =	vadd.f32 $1.000000000e+01, v44;
	v31 =	vpop (erf);
	(erf) = vpow2.f32 v43  }
0xf8: {  	v42 =	vadd.f32 $-1.500000000e+01, v45;
	v62 =	vpop (erf);
	v43 =	vmul.f32 v40, v28;
	v48 =	vmul.f32 v41, v26  }
0xf9: {  	v44 =	vadd.f32 $1.000000000e+01, v51;
	v51 =	vmul.f32 v46, v24;
	v59 =	vpop (erf);
	(erf) = vpow2.f32 v47  }
0xfa: {  	vm5 =	vge.f32 v33, $5.000000000e+00;
	v49 =	vmul.f32 v42, v25;
	v58 =	vpop (erf);
	(erf) = vrcp.f32 v33  }
0xfb: {  	vm11 =	vlt.f32 v33, $3.500000000e+00;
	v33 =	vmul.f32 v10, v2;
	v32 =	vpop (erf);
	(erf) = vrcp.f32 v38  }
0xfc: {  	v40 =	vadd.f32 $1.000000000e+01, v39;
	v39 =	vpop (erf);
	(erf) = vrcp.f32 v37;
	v37 =	vmul.f32 v13, v4  }
0xfd: {  	vm0 =	vge.f32 v34, $5.000000000e+00;
	v41 =	vpop (erf);
	(erf) = vrcp.f32 v35;
	v35 =	vmul.f32 v11, v4  }
0xfe: {  	vm1 =	vge.f32 v36, $5.000000000e+00;
	v42 =	vpop (erf);
	(erf) = vrcp.f32 v36;
	v36 =	vmul.f32 v12, v2  }
0xff: {  	v45 =	vpop (erf);
	(erf) = vrcp.f32 v34;
	v38 =	vadd.f32 v35, v33;
	v33 =	vmul.f32 v0, v2  }
0x100: {  	v34 =	vpop (erf);
	v0 =	vadd.f32 v37, v36;
	v36 =	vmul.f32 v52, v2;
	v37 =	vmul.f32 v50, v4  }
0x101: {  	v54 =	vmul.f32 v54, v4;
	v46 =	vadd.f32 $1.000000000e+01, v48;
	v35 =	vmul.f32 v57, v2;
	v48 =	vpop (erf)  }
0x102: {  	s26 =	simm.s32 $0x1B8C0;
	v57 =	vmul.f32 v53, v4;
	v50 =	vpop (erf);
	v53 =	vadd.f32 v37, v36;
	v36 =	vmul.f32 v60, v2  }
0x103: {  	[tilespmem:s26+$0x30] =	vst v9;
	v47 =	vadd.f32 $1.000000000e+01, v49;
	v49 =	vadd.f32 $1.000000000e+01, v51;
	v37 =	vmul.f32 v61, v4;
	v51 =	vpop (erf)  }
0x104: {  	v9 =	vld [tilespmem:$0x1FFF0];
	v56 =	vmul.f32 v56, v6;
	v52 =	vadd.f32 v54, v33;
	v33 =	vpop (erf)  }
0x105: {  	v31 =	vmul.f32 v31, v6;
	v62 =	vmul.f32 v62, v6;
	v54 =	vadd.f32 v57, v35;
	v35 =	vpop (erf)  }
0x106: {  	s21 =	simm.s32 $0x1C8C0;
	s23 =	simm.s32 $0x0;
	v57 =	vmul.f32 v63, v2;
	v61 =	vmul.f32 v55, v4;
	v55 =	vadd.f32 v37, v36;
	v36 =	vpop (erf)  }
0x107: {  	s12 =	simm.s32 $0x1B000;
	s13 =	simm.s32 $0x1A000;
	s14 =	simm.s32 $0x770;
	v43 =	vadd.f32 $1.000000000e+01, v43;
	v63 =	vmul.f32 v58, v6;
	v60 =	vmul.f32 v59, v6;
	v37 =	vpop (erf)  }
0x108: {  	s17 =	simm.s32 $0x1D000;
	s18 =	simm.s32 $0x1C000;
	s24 =	simm.s32 $0x18940;
	v56 =	vadd.f32 v38, v56;
	v59 =	vmul.f32 v32, v6;
	v32 =	vmul.f32 v14, v30;
	v38 =	vpop (erf)  }
0x109: {  	s28 =	simm.s32 $0x1B8C0;
	s22 =	simm.s32 $0x1C8C0;
	s11 =	simm.s32 $0x19000;
	[tilespmem:s21+$0x30] =	vst v9;
	v58 =	vadd.f32 v0, v31;
	v57 =	vadd.f32 v61, v57;
	v61 =	vmul.f32 v39, v6;
	v39 =	vpop (erf)  }
.LBB2_9:
0x10a: {  	v31 =	vld [tilespmem:s24+$0x30]  }
0x10b: {  	v0 =	vmul.f32 v40, v29;
	v40 =	vld [tilespmem:s24+$0xFFFFFFF0]  }
0x10c: {  	v16 =	vmul.f32 v16, v23;
	v23 =	vld [tilespmem:s24+$0x20]  }
0x10d: {  	s9 =	sadd.s32 $0x80, s9;
	v10 =	vld [tilespmem:$0x1FF90]  }
0x10e: {  	v9 =	vld [tilespmem:s9+$0x30]  }
0x10f: {  	v46 =	vmul.f32 v46, v26;
	v47 =	vmul.f32 v47, v25;
	v53 =	vadd.f32 v53, v60;
	v60 =	vld [tilespmem:s9+$0xFFFFFFC0]  }
0x110: {  	v49 =	vmul.f32 v49, v24;
	v52 =	vadd.f32 v52, v62;
	v62 =	vmul.f32 v43, v28;
	v43 =	vld [tilespmem:s24+$0xFFFFFFD0]  }
0x111: {  	v42 =	vmul.f32 v42, v8;
	v45 =	vmul.f32 v45, v8;
	v55 =	vadd.f32 v55, v59;
	v59 =	vld [tilespmem:s9+$0xFFFFFFD0]  }
0x112: {  	v34 =	vmul.f32 v34, v8;
	v54 =	vadd.f32 v54, v63;
	v63 =	vmul.f32 v41, v8;
	v41 =	vld [tilespmem:s24+$0xFFFFFFE0]  }
0x113: {  	v48 =	vmul.f32 v48, v8;
	v51 =	vmul.f32 v51, v8;
	v57 =	vadd.f32 v57, v61;
	v61 =	vld [tilespmem:s9+$0xFFFFFFE0]  }
0x114: {  	v22 =	vmul.f32 v22, v37;
	v37 =	vld [tilespmem:s9+$0x20];
	v0 =	vmul.f32 v0, v29  }
0x115: {  	v44 =	vmul.f32 v44, v27;
	v49 =	vmul.f32 v49, v24;
	v51 =	vadd.f32 v57, v51;
	v57 =	vld [tilespmem:s9+$0x10]  }
0x116: {  	v47 =	vmul.f32 v47, v25;
	v0 =	vmul.f32 v0, v29;
	v29 =	vld [tilespmem:s9+$0x0]  }
0x117: {  	s10 =	sadd.s32 $0x80, s10;
	v44 =	vmul.f32 v44, v27;
	v24 =	vmul.f32 v49, v24;
	v49 =	vld [tilespmem:s24+$0xFFFFFFC0]  }
0x118: {  	v25 =	vmul.f32 v47, v25;
	v47 =	vmul.f32 v20, v38;
	v20 =	vld [tilespmem:s10+$0x30]  }
0x119: {  	v17 =	vmul.f32 v17, v33;
	v42 =	vadd.f32 v58, v42;
	v27 =	vmul.f32 v44, v27;
	v44 =	vld [tilespmem:s24+$0x10]  }
0x11a: {  	v19 =	vmul.f32 v19, v36;
	v58 =	vmul.f32 v32, v30;
	v32 =	vld.idx.msk [tilespmem:v31+s7+$0x0], $0xffff  }
0x11b: {  	v53 =	vadd.f32 v53, v34;
	v17 =	vmul.f32 v42, v17;
	v0 =	vsel vm5, $0x0, v0;
	v34 =	vld.idx.msk [tilespmem:v9+s7+$0x0], $0xffff  }
0x11c: {  	v21 =	vmul.f32 v21, v39;
	v56 =	vadd.f32 v56, v63;
	v0 =	vsel vm11, $0x3F800000, v0;
	v38 =	vld.idx.msk [tilespmem:v23+s7+$0x0], $0xffff  }
0x11d: {  	v45 =	vadd.f32 v52, v45;
	v19 =	vmul.f32 v53, v19;
	v0 =	vmul.f32 v17, v0;
	v53 =	vld.idx.msk [tilespmem:v60+s7+$0x0], $0xffff  }
0x11e: {  	v63 =	vmul.f32 v62, v28;
	v52 =	vsel vm0, $0x0, v24;
	v24 =	vmul.f32 v51, v21;
	v21 =	vld.idx.msk [tilespmem:v43+s7+$0x0], $0xffff  }
0x11f: {  	v18 =	vmul.f32 v18, v35;
	v30 =	vmul.f32 v58, v30;
	v60 =	vld.idx.msk [tilespmem:v59+s7+$0x0], $0xffff;
	[tilespmem:s26+$0xFFFFFFD0] =	vst v0  }
0x120: {  	v28 =	vmul.f32 v63, v28;
	v9 =	vadd.f32 v54, v48;
	v48 =	vld [tilespmem:s9+$0xFFFFFFF0];
	[tilespmem:s21+$0xFFFFFFD0] =	vst v10;
	v10 =	vmov v43  }
0x121: {  	v46 =	vmul.f32 v46, v26;
	v16 =	vmul.f32 v56, v16;
	v30 =	vsel vm6, $0x0, v30;
	[tilespmem:$0x1FF90] =	vst v10;
	v10 =	vld [tilespmem:$0x1FFA0]  }
0x122: {  	v18 =	vmul.f32 v45, v18;
	v28 =	vsel vm4, $0x0, v28;
	v30 =	vsel vm13, $0x3F800000, v30;
	v62 =	vld.idx.msk [tilespmem:v32+s31+$0x0], $0xffff  }
0x123: {  	v50 =	vmul.f32 v50, v8;
	v28 =	vsel vm12, $0x3F800000, v28;
	v16 =	vmul.f32 v16, v30;
	v63 =	vld.idx.msk [tilespmem:v34+s31+$0x0], $0xffff  }
0x124: {  	v26 =	vmul.f32 v46, v26;
	v27 =	vsel vm3, $0x0, v27;
	v54 =	vld [tilespmem:s24+$0x0];
	v17 =	vmul.f32 v18, v28  }
0x125: {  	v50 =	vadd.f32 v55, v50;
	v27 =	vsel vm8, $0x3F800000, v27;
	v30 =	vld.idx.msk [tilespmem:v41+s7+$0x0], $0xffff;
	[tilespmem:s26+$0xFFFFFFC0] =	vst v16  }
0x126: {  	v26 =	vsel vm2, $0x0, v26;
	v25 =	vsel vm1, $0x0, v25;
	v18 =	vld.idx.msk [tilespmem:v61+s7+$0x0], $0xffff;
	v16 =	vmul.f32 v19, v27;
	[tilespmem:s26+$0xFFFFFFE0] =	vst v17  }
0x127: {  	v19 =	vld.idx.msk [tilespmem:v40+s7+$0x0], $0xffff;
	v9 =	vmul.f32 v9, v22;
	v22 =	vmul.f32 v50, v47;
	[tilespmem:s21+$0xFFFFFFE0] =	vst v10;
	v10 =	vmov v41  }
0x128: {  	v26 =	vsel vm9, $0x3F800000, v26;
	v58 =	vsel vm10, $0x3F800000, v25;
	[tilespmem:$0x1FFA0] =	vst v10;
	v10 =	vld [tilespmem:$0x1FFB0];
	v33 =	vadd.f32 v63, v62  }
0x129: {  	v57 =	vld.idx.msk [tilespmem:v57+s7+$0x0], $0xffff;
	v9 =	vmul.f32 v9, v26;
	v22 =	vmul.f32 v22, v58  }
0x12a: {  	[tilespmem:s21+$0xFFFFFFC0] =	vst v15;
	v17 =	vld.idx.msk [tilespmem:v29+s7+$0x0], $0xffff;
	v50 =	vcvt.s32.f32 v38;
	v28 =	vmul.f32 v33, v20  }
0x12b: {  	v56 =	vsub.f32 $5.000000000e+00, v20;
	v26 =	vld.idx.msk [tilespmem:v49+s7+$0x0], $0xffff;
	v27 =	vcvt.s32.f32 v53;
	v0 =	vcvt.s32.f32 v21  }
0x12c: {  	v39 =	vcvt.s32.f32 v60;
	v35 =	vld.idx.msk [tilespmem:v48+s7+$0x0], $0xffff;
	[tilespmem:s26+$0xFFFFFFF0] =	vst v16;
	v33 =	vmul.f32 v28, v1  }
0x12d: {  	v41 =	vld.idx.msk [tilespmem:v44+s7+$0x0], $0xffff;
	[tilespmem:s21+$0xFFFFFFF0] =	vst v10;
	v10 =	vmov v40;
	v40 =	vmul.f32 $6.666666860e-01, v56;
	v62 =	vmul.f32 v28, v3  }
0x12e: {  	[tilespmem:$0x1FFB0] =	vst v10;
	v10 =	vld [tilespmem:$0x1FFC0];
	v55 =	vmul.f32 v28, v5;
	v33 =	vmul.f32 $1.442695020e+00, v33  }
0x12f: {  	[tilespmem:s26+$0x10] =	vst v22;
	v22 =	vld.idx.msk [tilespmem:v53+s31+$0x0], $0xffff;
	v58 =	vmul.f32 $6.000000000e+00, v40;
	v29 =	vmul.f32 $1.442695020e+00, v62  }
0x130: {  	v21 =	vld.idx.msk [tilespmem:v21+s31+$0x0], $0xffff;
	v16 =	vmul.f32 $1.442695020e+00, v55;
	(erf) = vpow2.f32 v33  }
0x131: {  	v59 =	vld.idx.msk [tilespmem:v60+s31+$0x0], $0xffff;
	v28 =	vmul.f32 v28, v7;
	(erf) = vpow2.f32 v29  }
0x132: {  	v60 =	vcvt.s32.f32 v17;
	v63 =	vld.idx.msk [tilespmem:v54+s7+$0x0], $0xffff;
	[tilespmem:s26+$0x0] =	vst v9;
	v36 =	vadd.f32 $-1.500000000e+01, v58;
	(erf) = vpow2.f32 v16  }
0x133: {  	v48 =	vcvt.s32.f32 v57;
	v9 =	vld.idx.msk [tilespmem:v37+s7+$0x0], $0xffff;
	v28 =	vmul.f32 $1.442695020e+00, v28;
	[tilespmem:s21+$0x0] =	vst v10;
	v10 =	vmov v54  }
0x134: {  	v34 =	vcvt.s32.f32 v34;
	v36 =	vmul.f32 v36, v40;
	[tilespmem:$0x1FFC0] =	vst v10;
	v10 =	vld [tilespmem:$0x1FFD0]  }
0x135: {  	v37 =	vcvt.s32.f32 v18;
	v18 =	vld.idx.msk [tilespmem:v18+s31+$0x0], $0xffff;
	(erf) = vpow2.f32 v28  }
0x136: {  	v43 =	vcvt.s32.f32 v35;
	v47 =	vcvt.s32.f32 v41;
	v36 =	vadd.f32 $1.000000000e+01, v36;
	v16 =	vld.idx.msk [tilespmem:v26+s31+$0x0], $0xffff  }
0x137: {  	v35 =	vld.idx.msk [tilespmem:v35+s31+$0x0], $0xffff;
	v29 =	vcvt.s32.f32 v26;
	(erf) = vrcp.f32 v20  }
0x138: {  	v25 =	vsel vm7, $0x3F800000, v52;
	v26 =	vcvt.s32.f32 v30;
	v30 =	vld.idx.msk [tilespmem:v30+s31+$0x0], $0xffff;
	v36 =	vmul.f32 v36, v40  }
0x139: {  	v15 =	vmov v49;
	v45 =	vcvt.s32.f32 v63;
	v28 =	vcvt.s32.f32 v19;
	v19 =	vld.idx.msk [tilespmem:v19+s31+$0x0], $0xffff;
	[tilespmem:s21+$0x10] =	vst v10;
	v61 =	vpop (erf)  }
0x13a: {  	v51 =	vcvt.s32.f32 v9;
	v10 =	vmov v44;
	v58 =	vmul.f32 v36, v40;
	v56 =	vld.idx.msk [tilespmem:v57+s31+$0x0], $0xffff;
	v62 =	vpop (erf)  }
0x13b: {  	v53 =	vadd.f32 v22, v16;
	v22 =	vld.idx.msk [tilespmem:v63+s31+$0x0], $0xffff;
	v49 =	vmul.f32 v61, v2;
	v52 =	vmul.f32 v62, v4;
	v16 =	vpop (erf)  }
0x13c: {  	vm0 =	vge.f32 v20, $5.000000000e+00;
	[tilespmem:$0x1FFD0] =	vst v10;
	v10 =	vcvt.s32.f32 v32;
	v63 =	vld.idx.msk [tilespmem:v17+s31+$0x0], $0xffff;
	v54 =	vmul.f32 v16, v6  }
0x13d: {  	v16 =	vmul.f32 v27, v29;
	v27 =	vadd.f32 v59, v21;
	v21 =	vld.idx.msk [tilespmem:v41+s31+$0x0], $0xffff;
	v17 =	vadd.f32 v52, v49  }
0x13e: {  	vm1 =	vlt.f32 v20, $3.500000000e+00;
	v29 =	vmul.f32 v34, v10;
	v55 =	vpop (erf);
	v34 =	vmul.f32 v58, v40  }
0x13f: {  	v36 =	vld [tilespmem:s10+$0x10];
	v62 =	vmul.f32 v24, v25;
	v32 =	vmul.f32 v55, v8;
	v57 =	vadd.f32 v17, v54  }
0x140: {  	v20 =	vsel vm0, $0x0, v34;
	v34 =	vld [tilespmem:s10+$0xFFFFFFF0];
	v17 =	vmul.f32 v39, v0;
	v0 =	vadd.f32 v18, v30;
	v30 =	vpop (erf)  }
0x141: {  	v59 =	vadd.f32 v35, v19;
	v29 =	vmul.f32 v29, v30;
	v30 =	vld [tilespmem:s10+$0xFFFFFFC0];
	v33 =	vadd.f32 v57, v32  }
0x142: {  	v19 =	vmul.f32 v43, v28;
	v35 =	vld [tilespmem:s10+$0x0];
	v18 =	vmul.f32 v37, v26;
	v61 =	vadd.f32 v56, v21  }
0x143: {  	v9 =	vld.idx.msk [tilespmem:v9+s31+$0x0], $0xffff;
	v21 =	vmul.f32 v51, v50;
	v28 =	vmul.f32 v33, v29;
	v29 =	vadd.f32 v63, v22  }
0x144: {  	v26 =	vld.idx.msk [tilespmem:v38+s31+$0x0], $0xffff;
	v22 =	vmul.f32 v60, v45;
	v60 =	vsel vm1, $0x3F800000, v20;
	v20 =	vmul.f32 v48, v47  }
0x145: {  	v37 =	vld [tilespmem:s10+$0x20];
	v38 =	vmul.f32 v59, v34;
	v39 =	vmul.f32 v61, v36  }
0x146: {  	v32 =	vld [tilespmem:s10+$0xFFFFFFD0];
	v28 =	vmul.f32 v28, v60;
	v41 =	vmul.f32 v53, v30  }
0x147: {  	(erf) = vrcp.f32 v30;
	v29 =	vmul.f32 v29, v35  }
0x148: {  	v49 =	vmul.f32 v38, v1;
	v50 =	vmul.f32 v38, v3  }
0x149: {  	v9 =	vadd.f32 v9, v26;
	v63 =	vmul.f32 v39, v1;
	v60 =	vmul.f32 v39, v3  }
0x14a: {  	s26 =	sadd.s32 $0x80, s26;
	v59 =	vmul.f32 v38, v5;
	v38 =	vmul.f32 v38, v7  }
0x14b: {  	v33 =	vld [tilespmem:s10+$0xFFFFFFE0];
	v9 =	vmul.f32 v9, v37;
	[tilespmem:s26+$0x30] =	vst v28;
	v28 =	vmul.f32 v27, v32  }
0x14c: {  	v40 =	vmul.f32 v41, v3;
	v51 =	vmul.f32 v29, v1  }
0x14d: {  	v52 =	vmul.f32 v29, v3;
	v53 =	vmul.f32 $1.442695020e+00, v60  }
0x14e: {  	s21 =	sadd.s32 $0x80, s21;
	v55 =	vmul.f32 v41, v5;
	v60 =	vmul.f32 v29, v5  }
0x14f: {  	v38 =	vmul.f32 $1.442695020e+00, v38;
	[tilespmem:s21+$0x30] =	vst v31;
	v31 =	vmul.f32 v41, v1  }
0x150: {  	v0 =	vmul.f32 v0, v33;
	v61 =	vmul.f32 v9, v1  }
0x151: {  	[tilespmem:s28+$0x20] =	vst v62;
	v62 =	vmul.f32 v9, v3;
	v41 =	vmul.f32 v41, v7  }
0x152: {  	v27 =	vsub.f32 $5.000000000e+00, v34;
	v42 =	vmul.f32 v28, v1;
	v44 =	vmul.f32 v28, v3  }
0x153: {  	v40 =	vmul.f32 $1.442695020e+00, v40;
	v57 =	vmul.f32 v28, v5  }
0x154: {  	v55 =	vmul.f32 $1.442695020e+00, v55;
	v27 =	vmul.f32 $6.666666860e-01, v27  }
0x155: {  	v46 =	vmul.f32 v0, v1;
	v48 =	vmul.f32 v0, v3  }
0x156: {  	v31 =	vmul.f32 $1.442695020e+00, v31;
	v54 =	vmul.f32 $1.442695020e+00, v61  }
0x157: {  	v56 =	vmul.f32 $1.442695020e+00, v62;
	v58 =	vmul.f32 v0, v5  }
0x158: {  	v10 =	vld [tilespmem:$0x1FFE0];
	v61 =	vmul.f32 v39, v5;
	v62 =	vmul.f32 v9, v5  }
0x159: {  	v0 =	vmul.f32 v0, v7;
	v39 =	vmul.f32 v39, v7  }
0x15a: {  	v24 =	vsub.f32 $5.000000000e+00, v30;
	v9 =	vmul.f32 v9, v7;
	v41 =	vmul.f32 $1.442695020e+00, v41  }
0x15b: {  	vm6 =	vge.f32 v30, $5.000000000e+00;
	v42 =	vmul.f32 $1.442695020e+00, v42;
	v44 =	vmul.f32 $1.442695020e+00, v44  }
0x15c: {  	vm13 =	vlt.f32 v30, $3.500000000e+00;
	v46 =	vmul.f32 $1.442695020e+00, v46;
	v30 =	vmul.f32 $1.442695020e+00, v48  }
0x15d: {  	[tilespmem:s22+$0x20] =	vst v10;
	v10 =	vmov v23;
	v48 =	vmul.f32 $1.442695020e+00, v49;
	v23 =	vpop (erf);
	(erf) = vpow2.f32 v31  }
0x15e: {  	v49 =	vmul.f32 $1.442695020e+00, v50;
	(erf) = vpow2.f32 v40  }
0x15f: {  	v50 =	vmul.f32 $1.442695020e+00, v51;
	(erf) = vpow2.f32 v42  }
0x160: {  	v51 =	vmul.f32 $1.442695020e+00, v52;
	(erf) = vpow2.f32 v44  }
0x161: {  	v26 =	vsub.f32 $5.000000000e+00, v33;
	v52 =	vmul.f32 $1.442695020e+00, v63;
	(erf) = vpow2.f32 v46  }
0x162: {  	v43 =	vsub.f32 $5.000000000e+00, v35;
	v63 =	vmul.f32 v28, v7;
	(erf) = vpow2.f32 v30  }
0x163: {  	v28 =	vmul.f32 $6.666666860e-01, v26;
	(erf) = vpow2.f32 v48  }
0x164: {  	v26 =	vmul.f32 $6.666666860e-01, v43;
	(erf) = vpow2.f32 v49  }
0x165: {  	v0 =	vmul.f32 $1.442695020e+00, v0;
	(erf) = vpow2.f32 v50  }
0x166: {  	v39 =	vmul.f32 $1.442695020e+00, v39;
	v49 =	vpop (erf);
	(erf) = vpow2.f32 v51  }
0x167: {  	v9 =	vmul.f32 $1.442695020e+00, v9;
	v50 =	vpop (erf);
	(erf) = vpow2.f32 v52  }
0x168: {  	v31 =	vmul.f32 $1.442695020e+00, v57;
	v52 =	vpop (erf);
	(erf) = vpow2.f32 v53  }
0x169: {  	v57 =	vmul.f32 $1.442695020e+00, v62;
	v53 =	vpop (erf);
	(erf) = vpow2.f32 v54  }
0x16a: {  	v43 =	vmul.f32 $1.442695020e+00, v63;
	v54 =	vpop (erf);
	(erf) = vpow2.f32 v56  }
0x16b: {  	v40 =	vmul.f32 $1.442695020e+00, v58;
	v42 =	vmul.f32 $1.442695020e+00, v59;
	v56 =	vpop (erf)  }
0x16c: {  	v47 =	vsub.f32 $5.000000000e+00, v37;
	v44 =	vmul.f32 $1.442695020e+00, v60;
	v46 =	vmul.f32 $1.442695020e+00, v61;
	v58 =	vpop (erf)  }
0x16d: {  	vm10 =	vlt.f32 v36, $3.500000000e+00;
	v30 =	vmul.f32 $6.666666860e-01, v24;
	v59 =	vpop (erf);
	(erf) = vpow2.f32 v55  }
0x16e: {  	vm2 =	vge.f32 v35, $5.000000000e+00;
	v24 =	vmul.f32 $6.666666860e-01, v47;
	v55 =	vpop (erf);
	(erf) = vpow2.f32 v31  }
0x16f: {  	v25 =	vsub.f32 $5.000000000e+00, v32;
	v47 =	vmul.f32 $6.000000000e+00, v26;
	v31 =	vpop (erf);
	(erf) = vpow2.f32 v40  }
0x170: {  	v45 =	vsub.f32 $5.000000000e+00, v36;
	v51 =	vmul.f32 v29, v7;
	v60 =	vpop (erf);
	(erf) = vpow2.f32 v42  }
0x171: {  	vm9 =	vlt.f32 v35, $3.500000000e+00;
	v29 =	vmul.f32 $6.666666860e-01, v25;
	v61 =	vpop (erf);
	(erf) = vpow2.f32 v44  }
0x172: {  	vm3 =	vge.f32 v34, $5.000000000e+00;
	v25 =	vmul.f32 $6.666666860e-01, v45;
	v62 =	vpop (erf);
	(erf) = vpow2.f32 v46  }
0x173: {  	vm1 =	vge.f32 v36, $5.000000000e+00;
	v63 =	vpop (erf);
	(erf) = vpow2.f32 v57;
	v57 =	vmul.f32 $6.000000000e+00, v30  }
0x174: {  	vm8 =	vlt.f32 v34, $3.500000000e+00;
	v45 =	vmul.f32 $6.000000000e+00, v28;
	v48 =	vmul.f32 $6.000000000e+00, v29  }
0x175: {  	vm0 =	vge.f32 v37, $5.000000000e+00;
	v52 =	vmul.f32 v52, v2;
	v53 =	vmul.f32 v53, v4  }
0x176: {  	vm7 =	vlt.f32 v37, $3.500000000e+00;
	v54 =	vmul.f32 v54, v2;
	v56 =	vmul.f32 v56, v4  }
0x177: {  	v58 =	vmul.f32 v58, v2;
	v59 =	vmul.f32 v59, v4;
	v42 =	vadd.f32 $-1.500000000e+01, v57;
	v57 =	vpop (erf)  }
0x178: {  	[tilespmem:$0x1FFE0] =	vst v10;
	vm5 =	vge.f32 v32, $5.000000000e+00;
	v40 =	vmul.f32 $1.442695020e+00, v51;
	v10 =	vpop (erf);
	(erf) = vpow2.f32 v41  }
0x179: {  	vm4 =	vge.f32 v33, $5.000000000e+00;
	v51 =	vmul.f32 $6.000000000e+00, v24;
	v11 =	vpop (erf);
	(erf) = vpow2.f32 v43  }
0x17a: {  	v45 =	vadd.f32 $-1.500000000e+01, v45;
	v46 =	vmul.f32 $6.000000000e+00, v27;
	v12 =	vpop (erf);
	(erf) = vpow2.f32 v0  }
0x17b: {  	v55 =	vmul.f32 v55, v2;
	v44 =	vadd.f32 $-1.500000000e+01, v48;
	v0 =	vpop (erf);
	(erf) = vpow2.f32 v38  }
0x17c: {  	v48 =	vmul.f32 $6.000000000e+00, v25;
	v46 =	vadd.f32 $-1.500000000e+01, v46;
	v38 =	vpop (erf);
	(erf) = vpow2.f32 v40  }
0x17d: {  	v42 =	vmul.f32 v42, v30;
	v41 =	vadd.f32 $-1.500000000e+01, v47;
	v14 =	vpop (erf);
	(erf) = vpow2.f32 v39  }
0x17e: {  	v47 =	vadd.f32 $-1.500000000e+01, v48;
	v43 =	vmul.f32 v44, v29;
	(erf) = vpow2.f32 v9  }
0x17f: {  	v48 =	vadd.f32 $-1.500000000e+01, v51;
	v51 =	vmul.f32 v45, v28;
	(erf) = vrcp.f32 v32  }
0x180: {  	v44 =	vmul.f32 v46, v27;
	v40 =	vadd.f32 $1.000000000e+01, v43;
	(erf) = vrcp.f32 v33  }
0x181: {  	v43 =	vadd.f32 $1.000000000e+01, v51;
	v51 =	vmul.f32 v41, v26;
	v41 =	vpop (erf);
	(erf) = vrcp.f32 v34  }
0x182: {  	v13 =	vadd.f32 $1.000000000e+01, v42;
	v9 =	vmul.f32 v47, v25;
	v42 =	vpop (erf);
	(erf) = vrcp.f32 v35  }
0x183: {  	v46 =	vadd.f32 $1.000000000e+01, v51;
	v51 =	vmul.f32 v48, v24;
	v45 =	vpop (erf);
	(erf) = vrcp.f32 v36  }
0x184: {  	vm12 =	vlt.f32 v33, $3.500000000e+00;
	v33 =	vmul.f32 v49, v2;
	v34 =	vpop (erf);
	(erf) = vrcp.f32 v37  }
0x185: {  	vm11 =	vlt.f32 v32, $3.500000000e+00;
	v31 =	vmul.f32 v31, v4;
	v60 =	vmul.f32 v60, v2;
	v48 =	vpop (erf)  }
0x186: {  	v39 =	vadd.f32 v53, v52;
	v47 =	vadd.f32 $1.000000000e+01, v9;
	v9 =	vmul.f32 v50, v4;
	v50 =	vpop (erf)  }
0x187: {  	s23 =	sadd.s32 $0x80, s23;
	v61 =	vmul.f32 v61, v4;
	v52 =	vadd.f32 v56, v54;
	v49 =	vadd.f32 $1.000000000e+01, v51;
	v51 =	vpop (erf)  }
0x188: {  	p2 =	slt.u32 s23, $0x700;
	v10 =	vmul.f32 v10, v6;
	v53 =	vadd.f32 v59, v58;
	v9 =	vadd.f32 v9, v33;
	v33 =	vpop (erf)  }
.Ltmp5:
0x189: {  	v54 =	vadd.f32 v31, v55;
	v31 =	vmul.f32 v62, v2;
	v59 =	vmul.f32 v63, v4;
	v35 =	vpop (erf);
	(pc) =	sbr.rel @p2 .LBB2_9-.Ltmp5, $4  }
0x18a: {  	v44 =	vadd.f32 $1.000000000e+01, v44;
	v56 =	vmul.f32 v57, v6;
	v62 =	vmul.f32 v11, v6;
	v36 =	vpop (erf)  }
0x18b: {  	v55 =	vadd.f32 v61, v60;
	v60 =	vmul.f32 v12, v6;
	v63 =	vmul.f32 v0, v6;
	v37 =	vpop (erf)  }
0x18c: {  	v61 =	vmul.f32 v14, v6;
	v57 =	vadd.f32 v59, v31;
	v59 =	vmul.f32 v38, v6;
	v38 =	vpop (erf)  }
0x18d: {  	s24 =	sadd.s32 $0x80, s24;
	s28 =	smov.u32 s26;
	s22 =	smov.u32 s21;
	v32 =	vmul.f32 v13, v30;
	v58 =	vadd.f32 v39, v10;
	v56 =	vadd.f32 v9, v56;
	v39 =	vpop (erf)  }
0x18e: {  	v0 =	vmul.f32 v40, v29  }
0x18f: {  	v41 =	vmul.f32 v41, v8;
	v32 =	vmul.f32 v32, v30  }
0x190: {  	v42 =	vmul.f32 v42, v8;
	v16 =	vmul.f32 v16, v23  }
0x191: {  	v41 =	vadd.f32 v56, v41;
	v0 =	vmul.f32 v0, v29;
	v30 =	vmul.f32 v32, v30  }
0x192: {  	v9 =	vadd.f32 v52, v62;
	v17 =	vmul.f32 v17, v33;
	v42 =	vadd.f32 v58, v42  }
0x193: {  	v0 =	vmul.f32 v0, v29;
	v16 =	vmul.f32 v41, v16;
	v58 =	vsel vm6, $0x0, v30  }
0x194: {  	v10 =	vmul.f32 v43, v28;
	v62 =	vadd.f32 v55, v59;
	v59 =	vsel vm13, $0x3F800000, v58  }
0x195: {  	v17 =	vmul.f32 v42, v17;
	v0 =	vsel vm5, $0x0, v0;
	v16 =	vmul.f32 v16, v59  }
0x196: {  	v45 =	vmul.f32 v45, v8;
	v10 =	vmul.f32 v10, v28;
	v0 =	vsel vm11, $0x3F800000, v0  }
0x197: {  	v0 =	vmul.f32 v17, v0;
	[tilespmem:s26+$0xFFFFFFC0] =	vst v16  }
0x198: {  	v18 =	vmul.f32 v18, v35;
	v9 =	vadd.f32 v9, v45;
	v10 =	vmul.f32 v10, v28;
	[tilespmem:s21+$0xFFFFFFC0] =	vst v15  }
0x199: {  	v12 =	vmul.f32 v44, v27;
	v14 =	vadd.f32 v54, v63;
	[tilespmem:s26+$0xFFFFFFD0] =	vst v0  }
0x19a: {  	v63 =	vadd.f32 v57, v61;
	v9 =	vmul.f32 v9, v18;
	v10 =	vsel vm4, $0x0, v10;
	v61 =	vld [tilespmem:$0x1FF90]  }
0x19b: {  	v34 =	vmul.f32 v34, v8;
	v10 =	vsel vm12, $0x3F800000, v10  }
0x19c: {  	v11 =	vadd.f32 v53, v60;
	v12 =	vmul.f32 v12, v27;
	v9 =	vmul.f32 v9, v10  }
0x19d: {  	v54 =	vmul.f32 v51, v8  }
0x19e: {  	v19 =	vmul.f32 v19, v36;
	v11 =	vadd.f32 v11, v34;
	v12 =	vmul.f32 v12, v27;
	[tilespmem:s26+$0xFFFFFFE0] =	vst v9  }
0x19f: {  	v13 =	vmul.f32 v46, v26;
	[tilespmem:s21+$0xFFFFFFD0] =	vst v61  }
0x1a0: {  	v56 =	vadd.f32 v63, v54;
	v11 =	vmul.f32 v11, v19;
	v12 =	vsel vm3, $0x0, v12;
	v63 =	vld [tilespmem:$0x1FFA0]  }
0x1a1: {  	v60 =	vmul.f32 v49, v24;
	v52 =	vmul.f32 v48, v8;
	v12 =	vsel vm8, $0x3F800000, v12  }
0x1a2: {  	v13 =	vmul.f32 v13, v26;
	v11 =	vmul.f32 v11, v12  }
0x1a3: {  	v31 =	vmul.f32 v47, v25;
	v57 =	vmul.f32 v60, v24  }
0x1a4: {  	v14 =	vadd.f32 v14, v52;
	v60 =	vmul.f32 v22, v37;
	v13 =	vmul.f32 v13, v26;
	[tilespmem:s26+$0xFFFFFFF0] =	vst v11  }
0x1a5: {  	v53 =	vmul.f32 v50, v8;
	[tilespmem:s21+$0xFFFFFFE0] =	vst v63  }
0x1a6: {  	v31 =	vmul.f32 v31, v25;
	v14 =	vmul.f32 v14, v60;
	v13 =	vsel vm2, $0x0, v13;
	v11 =	vld [tilespmem:$0x1FFB0]  }
0x1a7: {  	v13 =	vsel vm9, $0x3F800000, v13;
	v10 =	vmul.f32 v20, v38  }
0x1a8: {  	v55 =	vadd.f32 v62, v53;
	v13 =	vmul.f32 v14, v13;
	v0 =	vmul.f32 v31, v25;
	_ =	sdelay $0x1  }
0x1a9: {  	v10 =	vmul.f32 v55, v10;
	v0 =	vsel vm1, $0x0, v0;
	[tilespmem:s26+$0x0] =	vst v13  }
0x1aa: {  	v0 =	vsel vm10, $0x3F800000, v0;
	[tilespmem:s21+$0xFFFFFFF0] =	vst v11  }
0x1ab: {  	v0 =	vmul.f32 v10, v0;
	v10 =	vld [tilespmem:$0x1FFC0];
	_ =	sdelay $0x1  }
0x1ac: {  	v62 =	vmul.f32 v21, v39;
	v9 =	vmul.f32 v57, v24;
	_ =	sdelay $0x1  }
0x1ad: {  	v9 =	vsel vm0, $0x0, v9;
	v11 =	vmul.f32 v56, v62;
	[tilespmem:s26+$0x10] =	vst v0  }
0x1ae: {  	v9 =	vsel vm7, $0x3F800000, v9;
	[tilespmem:s21+$0x0] =	vst v10  }
0x1af: {  	v0 =	vmul.f32 v11, v9;
	v9 =	vld [tilespmem:$0x1FFD0];
	_ =	sdelay $0x3  }
0x1b0: {  	[tilespmem:s28+$0x20] =	vst v0  }
0x1b1: {  	[tilespmem:s21+$0x10] =	vst v9  }
0x1b2: {  	v0 =	vld [tilespmem:$0x1FFE0];
	_ =	sdelay $0x4  }
0x1b3: {  	[tilespmem:s22+$0x20] =	vst v0  }
.LBB2_11:
0x1b4: {  	v0 =	vld [tilespmem:s11+$0x0]  }
0x1b5: {  	v9 =	vld [tilespmem:s13+$0x0];
	_ =	sdelay $0x6  }
0x1b6: {  	v10 =	vld.idx.msk [tilespmem:v0+s7+$0x0], $0xffff  }
0x1b7: {  	v9 =	vld.idx.msk [tilespmem:v9+s7+$0x0], $0xffff;
	_ =	sdelay $0x6  }
0x1b8: {  	v11 =	vld.idx.msk [tilespmem:v10+s31+$0x0], $0xffff  }
0x1b9: {  	v12 =	vld.idx.msk [tilespmem:v9+s31+$0x0], $0xffff;
	_ =	sdelay $0x1  }
0x1ba: {  	v13 =	vld [tilespmem:s12+$0x0];
	_ =	sdelay $0x2  }
0x1bb: {  	v11 =	vadd.f32 v12, v11;
	_ =	sdelay $0x1  }
0x1bc: {  	v11 =	vmul.f32 v11, v13;
	_ =	sdelay $0x1  }
0x1bd: {  	v57 =	vmul.f32 v11, v1  }
0x1be: {  	v14 =	vmul.f32 v11, v3  }
0x1bf: {  	v12 =	vmul.f32 $1.442695020e+00, v57  }
0x1c0: {  	v15 =	vmul.f32 v11, v5;
	v14 =	vmul.f32 $1.442695020e+00, v14  }
0x1c1: {  	v59 =	vsub.f32 $5.000000000e+00, v13;
	v11 =	vmul.f32 v11, v7;
	(erf) = vpow2.f32 v12  }
0x1c2: {  	v58 =	vmul.f32 $1.442695020e+00, v15;
	(erf) = vpow2.f32 v14  }
0x1c3: {  	v60 =	vmul.f32 $6.666666860e-01, v59  }
0x1c4: {  	v11 =	vmul.f32 $1.442695020e+00, v11;
	(erf) = vpow2.f32 v58;
	_ =	sdelay $0x1  }
0x1c5: {  	(erf) = vpow2.f32 v11;
	v11 =	vmul.f32 $6.000000000e+00, v60;
	_ =	sdelay $0x1  }
0x1c6: {  	(erf) = vrcp.f32 v13;
	v11 =	vadd.f32 $-1.500000000e+01, v11;
	_ =	sdelay $0x1  }
0x1c7: {  	v11 =	vmul.f32 v11, v60;
	v61 =	vpop (erf)  }
0x1c8: {  	v62 =	vpop (erf)  }
0x1c9: {  	v11 =	vadd.f32 $1.000000000e+01, v11;
	v14 =	vmul.f32 v61, v2;
	v15 =	vmul.f32 v62, v4  }
0x1ca: {  	v10 =	vcvt.s32.f32 v10;
	v9 =	vcvt.s32.f32 v9;
	v16 =	vpop (erf)  }
0x1cb: {  	v11 =	vmul.f32 v11, v60;
	v16 =	vmul.f32 v16, v6;
	v14 =	vadd.f32 v15, v14  }
0x1cc: {  	v9 =	vmul.f32 v9, v10;
	v17 =	vpop (erf)  }
0x1cd: {  	v63 =	vmul.f32 v17, v8;
	v11 =	vmul.f32 v11, v60;
	v14 =	vadd.f32 v14, v16  }
0x1ce: {  	v10 =	vpop (erf)  }
0x1cf: {  	v9 =	vmul.f32 v9, v10;
	v11 =	vmul.f32 v11, v60;
	v14 =	vadd.f32 v14, v63  }
0x1d0: {  	s14 =	sadd.s32 $0x10, s14;
	vm0 =	vge.f32 v13, $5.000000000e+00  }
0x1d1: {  	p2 =	slt.u32 s14, $0x7C0;
	vm1 =	vlt.f32 v13, $3.500000000e+00;
	v10 =	vsel vm0, $0x0, v11;
	v9 =	vmul.f32 v14, v9  }
.Ltmp6:
0x1d2: {  	v10 =	vsel vm1, $0x3F800000, v10;
	(pc) =	sbr.rel @p2 .LBB2_11-.Ltmp6, $3  }
0x1d3: {  	v9 =	vmul.f32 v9, v10;
	_ =	sdelay $0x1  }
0x1d4: {  	s12 =	sadd.s32 $0x10, s12;
	s13 =	sadd.s32 $0x10, s13;
	[tilespmem:s18+$0x0] =	vst v9  }
0x1d5: {  	s11 =	sadd.s32 $0x10, s11;
	s18 =	sadd.s32 $0x10, s18;
	[tilespmem:s17+$0x0] =	vst v0;
	s17 =	sadd.s32 $0x10, s17  }
0x1d6: {  	p2 =	seq.s32 s8, $0x31  }
0x1d7: {  	s9 =	smul.u32 @!p2 $0xFA0, s8  }
0x1d8: {  	[spmem:s6] =	stream.indirect.scatter.add.f32 [tilespmem:s29], [sflag:$0x3], $0x1, s0, s2, $0xb8;
	[tilespmem:$0x1F0F0] =	vst v63  }
0x1d9: {  	s9 =	sadd.s32 @!p2 s9, s15  }
0x1da: {  	s9 =	sshrl.u32 @!p2 s9, $0x3  }
0x1db: {  	s11 =	simm.s32 @!p2 $0x0;
	s12 =	simm.s32 @!p2 $0x18880;
	s10 =	sadd.s32 @!p2 s3, s9  }
0x1dc: {  	[tilespmem:s12], [sflag:$0x1] =	stream.linear.gather @!p2 [hbm4b:s10+s11], $0x7D0, $0x38;
	[tilespmem:$0x1F0F0] =	vst v63  }
0x1dd: {  	s10 =	sadd.s32 @!p2 s4, s9;
	s12 =	simm.s32 @!p2 $0x19880  }
0x1de: {  	[tilespmem:s12], [sflag:$0x1] =	stream.linear.gather @!p2 [hbm4b:s10+s11], $0x7D0, $0x38;
	[tilespmem:$0x1F0F0] =	vst v63  }
0x1df: {  	s9 =	sadd.s32 @!p2 s1, s9;
	s10 =	simm.s32 @!p2 $0x1A880  }
0x1e0: {  	[tilespmem:s10], [sflag:$0x1] =	stream.linear.gather @!p2 [hbm4b:s9+s11], $0x7D0, $0x38;
	[tilespmem:$0x1F0F0] =	vst v63  }
0x1e1: {  	_ =	swait.ge [sflag:s5], $0x7D0  }
0x1e2: {  	[sflag:s5] =	ssyncset.done $0x0  }
0x1e3: {  	[sflag:s5] =	ssyncadd.s32 $0xFFFFF830  }
0x1e4: {  	_ =	swait.ge [sflag:s5], $0x7D0  }
0x1e5: {  	[sflag:s5] =	ssyncset.done $0x0  }
0x1e6: {  	[sflag:s5] =	ssyncadd.s32 $0xFFFFF830  }
0x1e7: {  	_ =	swait.ge [sflag:s5], $0x7D0  }
0x1e8: {  	[sflag:s5] =	ssyncset.done $0x0  }
0x1e9: {  	s9 =	simm.s32 @!p1 $0x4;
	[sflag:s5] =	ssyncadd.s32 $0xFFFFF830  }
0x1ea: {  	_ =	swait.ge @!p1 [sflag:s9], $0x7D0  }
0x1eb: {  	[sflag:s9] =	ssyncset.done @!p1 $0x0  }
0x1ec: {  	s26 =	simm.s32 $0x190C0;
	[sflag:s9] =	ssyncadd.s32 @!p1 $0xFFFFF830  }
0x1ed: {  	v9 =	vld [tilespmem:s26+$0x30];
	_ =	sdelay $0x4  }
0x1ee: {  	s9 =	simm.s32 $0x1A0C0;
	[tilespmem:$0x1FF70] =	vst v9  }
0x1ef: {  	v0 =	vld [tilespmem:s9+$0x30]  }
0x1f0: {  	v16 =	vld [tilespmem:s9+$0xFFFFFFC0]  }
0x1f1: {  	v14 =	vld [tilespmem:s26+$0xFFFFFFD0]  }
0x1f2: {  	v17 =	vld [tilespmem:s9+$0xFFFFFFD0]  }
0x1f3: {  	v13 =	vld [tilespmem:s26+$0xFFFFFFE0]  }
0x1f4: {  	v18 =	vld [tilespmem:s9+$0xFFFFFFE0]  }
0x1f5: {  	v12 =	vld [tilespmem:s26+$0xFFFFFFF0]  }
0x1f6: {  	v20 =	vld [tilespmem:s9+$0xFFFFFFF0]  }
0x1f7: {  	v11 =	vld [tilespmem:s26+$0x0]  }
0x1f8: {  	v21 =	vld [tilespmem:s9+$0x0]  }
0x1f9: {  	v19 =	vld.idx.msk [tilespmem:v9+s7+$0x0], $0xffff  }
0x1fa: {  	v0 =	vld.idx.msk [tilespmem:v0+s7+$0x0], $0xffff  }
0x1fb: {  	v22 =	vld [tilespmem:s9+$0x10]  }
0x1fc: {  	v10 =	vld [tilespmem:s26+$0x20]  }
0x1fd: {  	v25 =	vld [tilespmem:s9+$0x20]  }
0x1fe: {  	s10 =	simm.s32 $0x1B0C0;
	v29 =	vld [tilespmem:s26+$0xFFFFFFC0]  }
0x1ff: {  	v26 =	vld [tilespmem:s10+$0x30]  }
0x200: {  	v9 =	vld [tilespmem:s26+$0x10]  }
0x201: {  	v23 =	vld.idx.msk [tilespmem:v19+s31+$0x0], $0xffff  }
0x202: {  	v24 =	vld.idx.msk [tilespmem:v0+s31+$0x0], $0xffff  }
0x203: {  	v16 =	vld.idx.msk [tilespmem:v16+s7+$0x0], $0xffff;
	[tilespmem:$0x1FF00] =	vst v14  }
0x204: {  	v27 =	vld.idx.msk [tilespmem:v14+s7+$0x0], $0xffff  }
0x205: {  	v17 =	vld.idx.msk [tilespmem:v17+s7+$0x0], $0xffff;
	[tilespmem:$0x1FF10] =	vst v13  }
0x206: {  	v18 =	vld.idx.msk [tilespmem:v18+s7+$0x0], $0xffff  }
0x207: {  	v23 =	vadd.f32 v24, v23;
	v24 =	vld.idx.msk [tilespmem:v13+s7+$0x0], $0xffff;
	[tilespmem:$0x1FF20] =	vst v12  }
0x208: {  	v28 =	vld.idx.msk [tilespmem:v12+s7+$0x0], $0xffff  }
0x209: {  	v15 =	vmov v29;
	v29 =	vld.idx.msk [tilespmem:v29+s7+$0x0], $0xffff  }
0x20a: {  	v20 =	vld.idx.msk [tilespmem:v20+s7+$0x0], $0xffff;
	[tilespmem:$0x1FF30] =	vst v11  }
0x20b: {  	v38 =	vsub.f32 $5.000000000e+00, v26;
	v34 =	vld.idx.msk [tilespmem:v11+s7+$0x0], $0xffff  }
0x20c: {  	v21 =	vld.idx.msk [tilespmem:v21+s7+$0x0], $0xffff;
	[tilespmem:$0x1FF40] =	vst v9  }
0x20d: {  	v38 =	vmul.f32 $6.666666860e-01, v38;
	v37 =	vld.idx.msk [tilespmem:v9+s7+$0x0], $0xffff  }
0x20e: {  	v19 =	vcvt.s32.f32 v19;
	v0 =	vcvt.s32.f32 v0;
	v22 =	vld.idx.msk [tilespmem:v22+s7+$0x0], $0xffff;
	[tilespmem:$0x1FF50] =	vst v10  }
0x20f: {  	v39 =	vmul.f32 $6.000000000e+00, v38;
	v23 =	vmul.f32 v23, v26;
	v62 =	vld.idx.msk [tilespmem:v10+s7+$0x0], $0xffff  }
0x210: {  	v32 =	vcvt.s32.f32 v16;
	v0 =	vmul.f32 v0, v19;
	v25 =	vld.idx.msk [tilespmem:v25+s7+$0x0], $0xffff  }
0x211: {  	v63 =	vcvt.s32.f32 v17;
	v30 =	vmul.f32 v23, v1;
	v16 =	vld.idx.msk [tilespmem:v16+s31+$0x0], $0xffff  }
0x212: {  	v33 =	vmul.f32 v23, v3;
	v36 =	vmul.f32 v23, v5;
	v17 =	vld.idx.msk [tilespmem:v17+s31+$0x0], $0xffff  }
0x213: {  	v23 =	vmul.f32 v23, v7;
	v45 =	vld.idx.msk [tilespmem:v18+s31+$0x0], $0xffff;
	v30 =	vmul.f32 $1.442695020e+00, v30  }
0x214: {  	v33 =	vmul.f32 $1.442695020e+00, v33;
	v41 =	vcvt.s32.f32 v28;
	v28 =	vld.idx.msk [tilespmem:v28+s31+$0x0], $0xffff  }
0x215: {  	(erf) = vpow2.f32 v30;
	v30 =	vmul.f32 $1.442695020e+00, v36;
	v50 =	vld.idx.msk [tilespmem:v20+s31+$0x0], $0xffff  }
0x216: {  	v23 =	vmul.f32 $1.442695020e+00, v23;
	(erf) = vpow2.f32 v33;
	v33 =	vld [tilespmem:s10+$0xFFFFFFD0]  }
0x217: {  	v35 =	vcvt.s32.f32 v27;
	(erf) = vpow2.f32 v30;
	v30 =	vld.idx.msk [tilespmem:v29+s31+$0x0], $0xffff  }
0x218: {  	v39 =	vadd.f32 $-1.500000000e+01, v39;
	v40 =	vcvt.s32.f32 v24;
	(erf) = vpow2.f32 v23;
	v23 =	vld.idx.msk [tilespmem:v27+s31+$0x0], $0xffff  }
0x219: {  	v42 =	vcvt.s32.f32 v20;
	v46 =	vcvt.s32.f32 v37;
	v52 =	vld.idx.msk [tilespmem:v37+s31+$0x0], $0xffff  }
0x21a: {  	vm0 =	vge.f32 v26, $5.000000000e+00;
	v27 =	vcvt.s32.f32 v18;
	v18 =	vmul.f32 v39, v38;
	v37 =	vld [tilespmem:s10+$0xFFFFFFF0]  }
0x21b: {  	vm1 =	vlt.f32 v26, $3.500000000e+00;
	v43 =	vcvt.s32.f32 v34;
	v44 =	vcvt.s32.f32 v21;
	v54 =	vld.idx.msk [tilespmem:v62+s31+$0x0], $0xffff  }
0x21c: {  	v47 =	vcvt.s32.f32 v22;
	v61 =	vcvt.s32.f32 v25;
	v25 =	vld.idx.msk [tilespmem:v25+s31+$0x0], $0xffff;
	v18 =	vadd.f32 $1.000000000e+01, v18  }
0x21d: {  	v48 =	vcvt.s32.f32 v62;
	v59 =	vld.idx.msk [tilespmem:v34+s31+$0x0], $0xffff;
	(erf) = vrcp.f32 v26;
	v26 =	vadd.f32 v50, v28  }
0x21e: {  	v29 =	vcvt.s32.f32 v29;
	v51 =	vld.idx.msk [tilespmem:v21+s31+$0x0], $0xffff;
	v18 =	vmul.f32 v18, v38  }
0x21f: {  	v34 =	vld [tilespmem:s10+$0x20];
	v23 =	vadd.f32 v17, v23;
	v17 =	vmul.f32 v63, v35;
	v26 =	vmul.f32 v26, v37;
	v57 =	vpop (erf)  }
0x220: {  	v39 =	vld [tilespmem:s10+$0xFFFFFFC0];
	v18 =	vmul.f32 v18, v38;
	v20 =	vmul.f32 v57, v2  }
0x221: {  	v24 =	vld.idx.msk [tilespmem:v24+s31+$0x0], $0xffff;
	v25 =	vadd.f32 v25, v54;
	v49 =	vpop (erf);
	v23 =	vmul.f32 v23, v33;
	v54 =	vmul.f32 v26, v1  }
0x222: {  	v35 =	vld [tilespmem:s10+$0x0];
	v55 =	vmul.f32 v26, v3;
	v58 =	vmul.f32 v49, v4  }
0x223: {  	v53 =	vld.idx.msk [tilespmem:v22+s31+$0x0], $0xffff;
	v60 =	vpop (erf);
	v22 =	vmul.f32 v18, v38;
	v18 =	vmul.f32 v27, v40  }
0x224: {  	v30 =	vadd.f32 v16, v30;
	v25 =	vmul.f32 v25, v34;
	v21 =	vmul.f32 v60, v6  }
0x225: {  	v28 =	vadd.f32 v51, v59;
	v16 =	vpop (erf);
	(erf) = vrcp.f32 v39;
	v40 =	vmul.f32 v23, v1  }
0x226: {  	v24 =	vadd.f32 v45, v24;
	v38 =	vld [tilespmem:s10+$0xFFFFFFE0];
	v62 =	vmul.f32 v23, v3;
	v45 =	vmul.f32 $1.442695020e+00, v55  }
0x227: {  	v55 =	vmul.f32 v26, v5;
	v20 =	vadd.f32 v58, v20;
	v28 =	vmul.f32 v28, v35  }
0x228: {  	v60 =	vmul.f32 v25, v1;
	v40 =	vmul.f32 $1.442695020e+00, v40  }
0x229: {  	v19 =	vadd.f32 v20, v21;
	v20 =	vmul.f32 v16, v8;
	v16 =	vmul.f32 v32, v29  }
0x22a: {  	v56 =	vmul.f32 v28, v1;
	v57 =	vmul.f32 v28, v3  }
0x22b: {  	v50 =	vmul.f32 $1.442695020e+00, v60;
	v21 =	vpop (erf);
	v24 =	vmul.f32 v24, v38  }
0x22c: {  	v20 =	vadd.f32 v19, v20;
	v0 =	vmul.f32 v0, v21;
	v19 =	vmul.f32 v42, v41  }
0x22d: {  	v21 =	vsel vm0, $0x0, v22;
	v22 =	vmul.f32 v44, v43;
	v41 =	vmul.f32 $1.442695020e+00, v62  }
0x22e: {  	v44 =	vmul.f32 $1.442695020e+00, v54;
	v63 =	vmul.f32 v24, v1  }
0x22f: {  	v32 =	vmul.f32 v24, v3;
	v0 =	vmul.f32 v20, v0  }
0x230: {  	v20 =	vmul.f32 v47, v46;
	v46 =	vmul.f32 $1.442695020e+00, v56  }
0x231: {  	v47 =	vmul.f32 $1.442695020e+00, v57;
	v56 =	vmul.f32 v28, v5  }
0x232: {  	v42 =	vmul.f32 $1.442695020e+00, v63;
	v43 =	vmul.f32 $1.442695020e+00, v32  }
0x233: {  	v36 =	vld [tilespmem:s10+$0x10];
	v21 =	vsel vm1, $0x3F800000, v21;
	v63 =	vmul.f32 v23, v5;
	v32 =	vmul.f32 v24, v5  }
0x234: {  	v9 =	vmul.f32 v0, v21;
	v0 =	vmul.f32 v30, v39  }
0x235: {  	v21 =	vmul.f32 v61, v48;
	v61 =	vmul.f32 v25, v3  }
0x236: {  	v30 =	vadd.f32 v53, v52;
	v53 =	vmul.f32 $1.442695020e+00, v63;
	v54 =	vmul.f32 $1.442695020e+00, v32  }
0x237: {  	v63 =	vmul.f32 v25, v7;
	v27 =	vmul.f32 v0, v1  }
0x238: {  	v29 =	vmul.f32 v0, v3;
	v30 =	vmul.f32 v30, v36  }
0x239: {  	v62 =	vmul.f32 v0, v5;
	v51 =	vmul.f32 $1.442695020e+00, v61  }
0x23a: {  	v0 =	vmul.f32 v0, v7;
	v58 =	vmul.f32 v30, v1  }
0x23b: {  	v59 =	vmul.f32 v30, v3;
	v27 =	vmul.f32 $1.442695020e+00, v27  }
0x23c: {  	v29 =	vmul.f32 $1.442695020e+00, v29;
	v57 =	vmul.f32 v30, v5  }
0x23d: {  	v52 =	vmul.f32 $1.442695020e+00, v62;
	v61 =	vmul.f32 v30, v7  }
0x23e: {  	v0 =	vmul.f32 $1.442695020e+00, v0;
	v48 =	vmul.f32 $1.442695020e+00, v58  }
0x23f: {  	v60 =	vsub.f32 $5.000000000e+00, v36;
	v49 =	vmul.f32 $1.442695020e+00, v59;
	(erf) = vpow2.f32 v27  }
0x240: {  	v58 =	vmul.f32 v25, v5;
	v27 =	vsub.f32 $5.000000000e+00, v39;
	(erf) = vpow2.f32 v29  }
0x241: {  	v25 =	vmul.f32 $6.666666860e-01, v60;
	(erf) = vpow2.f32 v40  }
0x242: {  	v29 =	vsub.f32 $5.000000000e+00, v33;
	v40 =	vmul.f32 $1.442695020e+00, v55;
	v30 =	vmul.f32 $6.666666860e-01, v27  }
0x243: {  	(erf) = vpow2.f32 v41;
	v41 =	vmul.f32 $1.442695020e+00, v56  }
0x244: {  	v29 =	vmul.f32 $6.666666860e-01, v29;
	(erf) = vpow2.f32 v42  }
0x245: {  	v42 =	vmul.f32 $1.442695020e+00, v57;
	(erf) = vpow2.f32 v43  }
0x246: {  	v43 =	vmul.f32 $1.442695020e+00, v58;
	(erf) = vpow2.f32 v44  }
0x247: {  	v44 =	vmul.f32 v23, v7;
	(erf) = vpow2.f32 v45  }
0x248: {  	v32 =	vmul.f32 $6.000000000e+00, v29;
	(erf) = vpow2.f32 v46  }
0x249: {  	v45 =	vsub.f32 $5.000000000e+00, v38;
	v46 =	vmul.f32 v24, v7;
	v44 =	vmul.f32 $1.442695020e+00, v44  }
0x24a: {  	v24 =	vsub.f32 $5.000000000e+00, v37;
	(erf) = vpow2.f32 v47;
	v47 =	vmul.f32 v26, v7  }
0x24b: {  	v62 =	vsub.f32 $5.000000000e+00, v34;
	v23 =	vpop (erf);
	(erf) = vpow2.f32 v48;
	v48 =	vmul.f32 v28, v7  }
0x24c: {  	v10 =	vpop (erf);
	v28 =	vmul.f32 $6.666666860e-01, v45;
	v27 =	vmul.f32 $6.666666860e-01, v24  }
0x24d: {  	v11 =	vpop (erf);
	v24 =	vmul.f32 $6.666666860e-01, v62;
	(erf) = vpow2.f32 v49  }
0x24e: {  	vm10 =	vlt.f32 v36, $3.500000000e+00;
	v45 =	vmul.f32 $1.442695020e+00, v46;
	v12 =	vpop (erf);
	(erf) = vpow2.f32 v50  }
0x24f: {  	v26 =	vsub.f32 $5.000000000e+00, v35;
	v46 =	vmul.f32 $1.442695020e+00, v63;
	v13 =	vpop (erf);
	(erf) = vpow2.f32 v51  }
0x250: {  	vm5 =	vge.f32 v33, $5.000000000e+00;
	v62 =	vmul.f32 $6.000000000e+00, v25;
	v14 =	vpop (erf);
	(erf) = vpow2.f32 v52  }
0x251: {  	vm6 =	vge.f32 v39, $5.000000000e+00;
	v26 =	vmul.f32 $6.666666860e-01, v26;
	v31 =	vpop (erf);
	(erf) = vpow2.f32 v53  }
0x252: {  	vm13 =	vlt.f32 v39, $3.500000000e+00;
	v39 =	vmul.f32 $6.000000000e+00, v27;
	v53 =	vpop (erf);
	(erf) = vpow2.f32 v54  }
0x253: {  	vm11 =	vlt.f32 v33, $3.500000000e+00;
	v50 =	vmul.f32 $6.000000000e+00, v26;
	v52 =	vpop (erf);
	(erf) = vpow2.f32 v40  }
0x254: {  	vm7 =	vlt.f32 v34, $3.500000000e+00;
	v40 =	vmul.f32 $1.442695020e+00, v47;
	v51 =	vpop (erf);
	(erf) = vpow2.f32 v41  }
0x255: {  	vm3 =	vge.f32 v37, $5.000000000e+00;
	v41 =	vmul.f32 $1.442695020e+00, v48;
	v59 =	vpop (erf);
	(erf) = vpow2.f32 v42  }
0x256: {  	v32 =	vadd.f32 $-1.500000000e+01, v32;
	v60 =	vpop (erf);
	(erf) = vpow2.f32 v43;
	v43 =	vmul.f32 $6.000000000e+00, v30  }
0x257: {  	v49 =	vadd.f32 $-1.500000000e+01, v50;
	v48 =	vmul.f32 $6.000000000e+00, v28;
	v54 =	vpop (erf);
	(erf) = vpow2.f32 v0  }
0x258: {  	v47 =	vmul.f32 $6.000000000e+00, v24;
	v57 =	vpop (erf);
	v43 =	vadd.f32 $-1.500000000e+01, v43;
	(erf) = vpow2.f32 v44  }
0x259: {  	v42 =	vmul.f32 $1.442695020e+00, v61;
	v63 =	vpop (erf);
	(erf) = vpow2.f32 v45;
	v45 =	vadd.f32 $-1.500000000e+01, v48  }
0x25a: {  	v48 =	vadd.f32 $-1.500000000e+01, v39;
	(erf) = vpow2.f32 v40;
	v61 =	vmul.f32 v43, v30  }
0x25b: {  	(erf) = vpow2.f32 v41;
	v41 =	vadd.f32 $-1.500000000e+01, v62;
	v62 =	vmul.f32 v32, v29  }
0x25c: {  	vm8 =	vlt.f32 v37, $3.500000000e+00;
	v55 =	vpop (erf);
	v44 =	vmul.f32 v45, v28;
	v50 =	vmul.f32 v48, v27  }
0x25d: {  	v39 =	vpop (erf);
	v48 =	vmul.f32 v49, v26;
	(erf) = vpow2.f32 v42;
	v42 =	vadd.f32 $-1.500000000e+01, v47  }
0x25e: {  	v56 =	vpop (erf);
	v0 =	vadd.f32 $1.000000000e+01, v61;
	(erf) = vpow2.f32 v46;
	v40 =	vadd.f32 $1.000000000e+01, v62  }
0x25f: {  	[tilespmem:$0x1FF60] =	vst v31;
	v31 =	vpop (erf);
	v43 =	vadd.f32 $1.000000000e+01, v44;
	v49 =	vmul.f32 v41, v25;
	v62 =	vmul.f32 v11, v4  }
0x260: {  	v58 =	vpop (erf);
	v44 =	vadd.f32 $1.000000000e+01, v50;
	[tilespmem:$0x1FF80] =	vst v0;
	(erf) = vrcp.f32 v33;
	v50 =	vmul.f32 v42, v24;
	v0 =	vld [tilespmem:$0x1FF60]  }
0x261: {  	vm4 =	vge.f32 v38, $5.000000000e+00;
	v32 =	vpop (erf);
	v33 =	vmul.f32 v10, v2;
	(erf) = vrcp.f32 v38  }
0x262: {  	s21 =	simm.s32 $0x1C0C0;
	vm12 =	vlt.f32 v38, $3.500000000e+00;
	v61 =	vpop (erf);
	(erf) = vrcp.f32 v37;
	v37 =	vmul.f32 v13, v4  }
0x263: {  	[tilespmem:s21+$0x30] =	vst v9;
	v41 =	vpop (erf);
	v38 =	vadd.f32 v62, v33;
	v33 =	vmul.f32 v14, v2;
	(erf) = vrcp.f32 v35  }
0x264: {  	vm1 =	vge.f32 v36, $5.000000000e+00;
	v9 =	vld [tilespmem:$0x1FF70];
	v42 =	vpop (erf);
	(erf) = vrcp.f32 v36;
	v36 =	vmul.f32 v12, v2  }
0x265: {  	vm0 =	vge.f32 v34, $5.000000000e+00;
	v45 =	vpop (erf);
	(erf) = vrcp.f32 v34;
	v62 =	vmul.f32 v0, v4  }
0x266: {  	v34 =	vpop (erf);
	v0 =	vadd.f32 v37, v36;
	v36 =	vmul.f32 v53, v2;
	v37 =	vmul.f32 v52, v4  }
0x267: {  	v59 =	vmul.f32 v59, v4;
	v46 =	vadd.f32 $1.000000000e+01, v48;
	v47 =	vadd.f32 $1.000000000e+01, v49;
	v48 =	vpop (erf)  }
0x268: {  	s18 =	simm.s32 $0x1D0C0;
	v49 =	vadd.f32 $1.000000000e+01, v50;
	v50 =	vpop (erf);
	v53 =	vadd.f32 v37, v36;
	v36 =	vmul.f32 v60, v2  }
0x269: {  	v52 =	vadd.f32 v62, v33;
	v62 =	vmul.f32 v51, v2;
	[tilespmem:s18+$0x30] =	vst v9;
	v51 =	vpop (erf);
	v37 =	vmul.f32 v54, v4  }
0x26a: {  	vm2 =	vge.f32 v35, $5.000000000e+00;
	vm9 =	vlt.f32 v35, $3.500000000e+00;
	v57 =	vmul.f32 v57, v2;
	v9 =	vld [tilespmem:$0x1FF80];
	v33 =	vpop (erf)  }
0x26b: {  	v39 =	vmul.f32 v39, v6;
	v61 =	vmul.f32 v61, v6;
	v54 =	vadd.f32 v59, v62;
	v35 =	vpop (erf)  }
0x26c: {  	v59 =	vmul.f32 v63, v4;
	v63 =	vmul.f32 v55, v6;
	v55 =	vadd.f32 v37, v36;
	v36 =	vpop (erf)  }
0x26d: {  	s22 =	simm.s32 $0x0;
	s13 =	simm.s32 $0x1A800;
	s14 =	simm.s32 $0x1D800;
	v60 =	vmul.f32 v31, v6;
	v62 =	vmul.f32 v56, v6;
	v37 =	vpop (erf)  }
0x26e: {  	s17 =	simm.s32 $0x1C800;
	s23 =	simm.s32 $0x19140;
	s28 =	simm.s32 $0x1D0C0;
	v57 =	vadd.f32 v59, v57;
	v56 =	vadd.f32 v38, v63;
	v63 =	vmul.f32 v58, v6;
	v38 =	vpop (erf)  }
0x26f: {  	s12 =	simm.s32 $0x1B800;
	s11 =	simm.s32 $0x19800;
	s26 =	simm.s32 $0x1C0C0;
	v59 =	vmul.f32 v32, v6;
	v58 =	vadd.f32 v0, v39;
	v32 =	vmul.f32 v9, v30;
	v39 =	vpop (erf)  }
.LBB2_13:
0x270: {  	v31 =	vld [tilespmem:s23+$0x30]  }
0x271: {  	v0 =	vmul.f32 v40, v29;
	v40 =	vld [tilespmem:s23+$0xFFFFFFF0]  }
0x272: {  	v16 =	vmul.f32 v16, v23;
	v23 =	vld [tilespmem:s23+$0x20]  }
0x273: {  	s9 =	sadd.s32 $0x80, s9;
	v10 =	vld [tilespmem:$0x1FF00]  }
0x274: {  	v9 =	vld [tilespmem:s9+$0x30]  }
0x275: {  	v46 =	vmul.f32 v46, v26;
	v47 =	vmul.f32 v47, v25;
	v53 =	vadd.f32 v53, v60;
	v60 =	vld [tilespmem:s9+$0xFFFFFFC0]  }
0x276: {  	v49 =	vmul.f32 v49, v24;
	v52 =	vadd.f32 v52, v62;
	v62 =	vmul.f32 v43, v28;
	v43 =	vld [tilespmem:s23+$0xFFFFFFD0]  }
0x277: {  	v42 =	vmul.f32 v42, v8;
	v45 =	vmul.f32 v45, v8;
	v55 =	vadd.f32 v55, v59;
	v59 =	vld [tilespmem:s9+$0xFFFFFFD0]  }
0x278: {  	v34 =	vmul.f32 v34, v8;
	v54 =	vadd.f32 v54, v63;
	v63 =	vmul.f32 v41, v8;
	v41 =	vld [tilespmem:s23+$0xFFFFFFE0]  }
0x279: {  	v48 =	vmul.f32 v48, v8;
	v51 =	vmul.f32 v51, v8;
	v57 =	vadd.f32 v57, v61;
	v61 =	vld [tilespmem:s9+$0xFFFFFFE0]  }
0x27a: {  	v22 =	vmul.f32 v22, v37;
	v37 =	vld [tilespmem:s9+$0x20];
	v0 =	vmul.f32 v0, v29  }
0x27b: {  	v44 =	vmul.f32 v44, v27;
	v49 =	vmul.f32 v49, v24;
	v51 =	vadd.f32 v57, v51;
	v57 =	vld [tilespmem:s9+$0x10]  }
0x27c: {  	v47 =	vmul.f32 v47, v25;
	v0 =	vmul.f32 v0, v29;
	v29 =	vld [tilespmem:s9+$0x0]  }
0x27d: {  	s10 =	sadd.s32 $0x80, s10;
	v44 =	vmul.f32 v44, v27;
	v24 =	vmul.f32 v49, v24;
	v49 =	vld [tilespmem:s23+$0xFFFFFFC0]  }
0x27e: {  	v25 =	vmul.f32 v47, v25;
	v47 =	vmul.f32 v20, v38;
	v20 =	vld [tilespmem:s10+$0x30]  }
0x27f: {  	v17 =	vmul.f32 v17, v33;
	v42 =	vadd.f32 v58, v42;
	v27 =	vmul.f32 v44, v27;
	v44 =	vld [tilespmem:s23+$0x10]  }
0x280: {  	v19 =	vmul.f32 v19, v36;
	v58 =	vmul.f32 v32, v30;
	v32 =	vld.idx.msk [tilespmem:v31+s7+$0x0], $0xffff  }
0x281: {  	v53 =	vadd.f32 v53, v34;
	v17 =	vmul.f32 v42, v17;
	v0 =	vsel vm5, $0x0, v0;
	v34 =	vld.idx.msk [tilespmem:v9+s7+$0x0], $0xffff  }
0x282: {  	v21 =	vmul.f32 v21, v39;
	v56 =	vadd.f32 v56, v63;
	v0 =	vsel vm11, $0x3F800000, v0;
	v38 =	vld.idx.msk [tilespmem:v23+s7+$0x0], $0xffff  }
0x283: {  	v45 =	vadd.f32 v52, v45;
	v19 =	vmul.f32 v53, v19;
	v0 =	vmul.f32 v17, v0;
	v53 =	vld.idx.msk [tilespmem:v60+s7+$0x0], $0xffff  }
0x284: {  	v63 =	vmul.f32 v62, v28;
	v52 =	vsel vm0, $0x0, v24;
	v24 =	vmul.f32 v51, v21;
	v21 =	vld.idx.msk [tilespmem:v43+s7+$0x0], $0xffff  }
0x285: {  	v18 =	vmul.f32 v18, v35;
	v30 =	vmul.f32 v58, v30;
	v60 =	vld.idx.msk [tilespmem:v59+s7+$0x0], $0xffff;
	[tilespmem:s21+$0xFFFFFFD0] =	vst v0  }
0x286: {  	v28 =	vmul.f32 v63, v28;
	v9 =	vadd.f32 v54, v48;
	v48 =	vld [tilespmem:s9+$0xFFFFFFF0];
	[tilespmem:s18+$0xFFFFFFD0] =	vst v10;
	v10 =	vmov v43  }
0x287: {  	v46 =	vmul.f32 v46, v26;
	v16 =	vmul.f32 v56, v16;
	v30 =	vsel vm6, $0x0, v30;
	[tilespmem:$0x1FF00] =	vst v10;
	v10 =	vld [tilespmem:$0x1FF10]  }
0x288: {  	v18 =	vmul.f32 v45, v18;
	v28 =	vsel vm4, $0x0, v28;
	v30 =	vsel vm13, $0x3F800000, v30;
	v62 =	vld.idx.msk [tilespmem:v32+s31+$0x0], $0xffff  }
0x289: {  	v50 =	vmul.f32 v50, v8;
	v28 =	vsel vm12, $0x3F800000, v28;
	v16 =	vmul.f32 v16, v30;
	v63 =	vld.idx.msk [tilespmem:v34+s31+$0x0], $0xffff  }
0x28a: {  	v26 =	vmul.f32 v46, v26;
	v27 =	vsel vm3, $0x0, v27;
	v54 =	vld [tilespmem:s23+$0x0];
	v17 =	vmul.f32 v18, v28  }
0x28b: {  	v50 =	vadd.f32 v55, v50;
	v27 =	vsel vm8, $0x3F800000, v27;
	v30 =	vld.idx.msk [tilespmem:v41+s7+$0x0], $0xffff;
	[tilespmem:s21+$0xFFFFFFC0] =	vst v16  }
0x28c: {  	v26 =	vsel vm2, $0x0, v26;
	v25 =	vsel vm1, $0x0, v25;
	v18 =	vld.idx.msk [tilespmem:v61+s7+$0x0], $0xffff;
	v16 =	vmul.f32 v19, v27;
	[tilespmem:s21+$0xFFFFFFE0] =	vst v17  }
0x28d: {  	v19 =	vld.idx.msk [tilespmem:v40+s7+$0x0], $0xffff;
	v9 =	vmul.f32 v9, v22;
	v22 =	vmul.f32 v50, v47;
	[tilespmem:s18+$0xFFFFFFE0] =	vst v10;
	v10 =	vmov v41  }
0x28e: {  	v26 =	vsel vm9, $0x3F800000, v26;
	v58 =	vsel vm10, $0x3F800000, v25;
	[tilespmem:$0x1FF10] =	vst v10;
	v10 =	vld [tilespmem:$0x1FF20];
	v33 =	vadd.f32 v63, v62  }
0x28f: {  	v57 =	vld.idx.msk [tilespmem:v57+s7+$0x0], $0xffff;
	v9 =	vmul.f32 v9, v26;
	v22 =	vmul.f32 v22, v58  }
0x290: {  	[tilespmem:s18+$0xFFFFFFC0] =	vst v15;
	v17 =	vld.idx.msk [tilespmem:v29+s7+$0x0], $0xffff;
	v50 =	vcvt.s32.f32 v38;
	v28 =	vmul.f32 v33, v20  }
0x291: {  	v56 =	vsub.f32 $5.000000000e+00, v20;
	v26 =	vld.idx.msk [tilespmem:v49+s7+$0x0], $0xffff;
	v27 =	vcvt.s32.f32 v53;
	v0 =	vcvt.s32.f32 v21  }
0x292: {  	v39 =	vcvt.s32.f32 v60;
	v35 =	vld.idx.msk [tilespmem:v48+s7+$0x0], $0xffff;
	[tilespmem:s21+$0xFFFFFFF0] =	vst v16;
	v33 =	vmul.f32 v28, v1  }
0x293: {  	v41 =	vld.idx.msk [tilespmem:v44+s7+$0x0], $0xffff;
	[tilespmem:s18+$0xFFFFFFF0] =	vst v10;
	v10 =	vmov v40;
	v40 =	vmul.f32 $6.666666860e-01, v56;
	v62 =	vmul.f32 v28, v3  }
0x294: {  	[tilespmem:$0x1FF20] =	vst v10;
	v10 =	vld [tilespmem:$0x1FF30];
	v55 =	vmul.f32 v28, v5;
	v33 =	vmul.f32 $1.442695020e+00, v33  }
0x295: {  	[tilespmem:s21+$0x10] =	vst v22;
	v22 =	vld.idx.msk [tilespmem:v53+s31+$0x0], $0xffff;
	v58 =	vmul.f32 $6.000000000e+00, v40;
	v29 =	vmul.f32 $1.442695020e+00, v62  }
0x296: {  	v21 =	vld.idx.msk [tilespmem:v21+s31+$0x0], $0xffff;
	v16 =	vmul.f32 $1.442695020e+00, v55;
	(erf) = vpow2.f32 v33  }
0x297: {  	v59 =	vld.idx.msk [tilespmem:v60+s31+$0x0], $0xffff;
	v28 =	vmul.f32 v28, v7;
	(erf) = vpow2.f32 v29  }
0x298: {  	v60 =	vcvt.s32.f32 v17;
	v63 =	vld.idx.msk [tilespmem:v54+s7+$0x0], $0xffff;
	[tilespmem:s21+$0x0] =	vst v9;
	v36 =	vadd.f32 $-1.500000000e+01, v58;
	(erf) = vpow2.f32 v16  }
0x299: {  	v48 =	vcvt.s32.f32 v57;
	v9 =	vld.idx.msk [tilespmem:v37+s7+$0x0], $0xffff;
	v28 =	vmul.f32 $1.442695020e+00, v28;
	[tilespmem:s18+$0x0] =	vst v10;
	v10 =	vmov v54  }
0x29a: {  	v34 =	vcvt.s32.f32 v34;
	v36 =	vmul.f32 v36, v40;
	[tilespmem:$0x1FF30] =	vst v10;
	v10 =	vld [tilespmem:$0x1FF40]  }
0x29b: {  	v37 =	vcvt.s32.f32 v18;
	v18 =	vld.idx.msk [tilespmem:v18+s31+$0x0], $0xffff;
	(erf) = vpow2.f32 v28  }
0x29c: {  	v43 =	vcvt.s32.f32 v35;
	v47 =	vcvt.s32.f32 v41;
	v36 =	vadd.f32 $1.000000000e+01, v36;
	v16 =	vld.idx.msk [tilespmem:v26+s31+$0x0], $0xffff  }
0x29d: {  	v35 =	vld.idx.msk [tilespmem:v35+s31+$0x0], $0xffff;
	v29 =	vcvt.s32.f32 v26;
	(erf) = vrcp.f32 v20  }
0x29e: {  	v25 =	vsel vm7, $0x3F800000, v52;
	v26 =	vcvt.s32.f32 v30;
	v30 =	vld.idx.msk [tilespmem:v30+s31+$0x0], $0xffff;
	v36 =	vmul.f32 v36, v40  }
0x29f: {  	v15 =	vmov v49;
	v45 =	vcvt.s32.f32 v63;
	v28 =	vcvt.s32.f32 v19;
	v19 =	vld.idx.msk [tilespmem:v19+s31+$0x0], $0xffff;
	[tilespmem:s18+$0x10] =	vst v10;
	v61 =	vpop (erf)  }
0x2a0: {  	v51 =	vcvt.s32.f32 v9;
	v10 =	vmov v44;
	v58 =	vmul.f32 v36, v40;
	v56 =	vld.idx.msk [tilespmem:v57+s31+$0x0], $0xffff;
	v62 =	vpop (erf)  }
0x2a1: {  	v53 =	vadd.f32 v22, v16;
	v22 =	vld.idx.msk [tilespmem:v63+s31+$0x0], $0xffff;
	v49 =	vmul.f32 v61, v2;
	v52 =	vmul.f32 v62, v4;
	v16 =	vpop (erf)  }
0x2a2: {  	vm0 =	vge.f32 v20, $5.000000000e+00;
	[tilespmem:$0x1FF40] =	vst v10;
	v10 =	vcvt.s32.f32 v32;
	v63 =	vld.idx.msk [tilespmem:v17+s31+$0x0], $0xffff;
	v54 =	vmul.f32 v16, v6  }
0x2a3: {  	v16 =	vmul.f32 v27, v29;
	v27 =	vadd.f32 v59, v21;
	v21 =	vld.idx.msk [tilespmem:v41+s31+$0x0], $0xffff;
	v17 =	vadd.f32 v52, v49  }
0x2a4: {  	vm1 =	vlt.f32 v20, $3.500000000e+00;
	v29 =	vmul.f32 v34, v10;
	v55 =	vpop (erf);
	v34 =	vmul.f32 v58, v40  }
0x2a5: {  	v36 =	vld [tilespmem:s10+$0x10];
	v62 =	vmul.f32 v24, v25;
	v32 =	vmul.f32 v55, v8;
	v57 =	vadd.f32 v17, v54  }
0x2a6: {  	v20 =	vsel vm0, $0x0, v34;
	v34 =	vld [tilespmem:s10+$0xFFFFFFF0];
	v17 =	vmul.f32 v39, v0;
	v0 =	vadd.f32 v18, v30;
	v30 =	vpop (erf)  }
0x2a7: {  	v59 =	vadd.f32 v35, v19;
	v29 =	vmul.f32 v29, v30;
	v30 =	vld [tilespmem:s10+$0xFFFFFFC0];
	v33 =	vadd.f32 v57, v32  }
0x2a8: {  	v19 =	vmul.f32 v43, v28;
	v35 =	vld [tilespmem:s10+$0x0];
	v18 =	vmul.f32 v37, v26;
	v61 =	vadd.f32 v56, v21  }
0x2a9: {  	v9 =	vld.idx.msk [tilespmem:v9+s31+$0x0], $0xffff;
	v21 =	vmul.f32 v51, v50;
	v28 =	vmul.f32 v33, v29;
	v29 =	vadd.f32 v63, v22  }
0x2aa: {  	v26 =	vld.idx.msk [tilespmem:v38+s31+$0x0], $0xffff;
	v22 =	vmul.f32 v60, v45;
	v60 =	vsel vm1, $0x3F800000, v20;
	v20 =	vmul.f32 v48, v47  }
0x2ab: {  	v37 =	vld [tilespmem:s10+$0x20];
	v38 =	vmul.f32 v59, v34;
	v39 =	vmul.f32 v61, v36  }
0x2ac: {  	v32 =	vld [tilespmem:s10+$0xFFFFFFD0];
	v28 =	vmul.f32 v28, v60;
	v41 =	vmul.f32 v53, v30  }
0x2ad: {  	(erf) = vrcp.f32 v30;
	v29 =	vmul.f32 v29, v35  }
0x2ae: {  	v49 =	vmul.f32 v38, v1;
	v50 =	vmul.f32 v38, v3  }
0x2af: {  	v9 =	vadd.f32 v9, v26;
	v63 =	vmul.f32 v39, v1;
	v60 =	vmul.f32 v39, v3  }
0x2b0: {  	s21 =	sadd.s32 $0x80, s21;
	v59 =	vmul.f32 v38, v5;
	v38 =	vmul.f32 v38, v7  }
0x2b1: {  	v33 =	vld [tilespmem:s10+$0xFFFFFFE0];
	v9 =	vmul.f32 v9, v37;
	[tilespmem:s21+$0x30] =	vst v28;
	v28 =	vmul.f32 v27, v32  }
0x2b2: {  	v40 =	vmul.f32 v41, v3;
	v51 =	vmul.f32 v29, v1  }
0x2b3: {  	v52 =	vmul.f32 v29, v3;
	v53 =	vmul.f32 $1.442695020e+00, v60  }
0x2b4: {  	s18 =	sadd.s32 $0x80, s18;
	v55 =	vmul.f32 v41, v5;
	v60 =	vmul.f32 v29, v5  }
0x2b5: {  	v38 =	vmul.f32 $1.442695020e+00, v38;
	[tilespmem:s18+$0x30] =	vst v31;
	v31 =	vmul.f32 v41, v1  }
0x2b6: {  	v0 =	vmul.f32 v0, v33;
	v61 =	vmul.f32 v9, v1  }
0x2b7: {  	[tilespmem:s26+$0x20] =	vst v62;
	v62 =	vmul.f32 v9, v3;
	v41 =	vmul.f32 v41, v7  }
0x2b8: {  	v27 =	vsub.f32 $5.000000000e+00, v34;
	v42 =	vmul.f32 v28, v1;
	v44 =	vmul.f32 v28, v3  }
0x2b9: {  	v40 =	vmul.f32 $1.442695020e+00, v40;
	v57 =	vmul.f32 v28, v5  }
0x2ba: {  	v55 =	vmul.f32 $1.442695020e+00, v55;
	v27 =	vmul.f32 $6.666666860e-01, v27  }
0x2bb: {  	v46 =	vmul.f32 v0, v1;
	v48 =	vmul.f32 v0, v3  }
0x2bc: {  	v31 =	vmul.f32 $1.442695020e+00, v31;
	v54 =	vmul.f32 $1.442695020e+00, v61  }
0x2bd: {  	v56 =	vmul.f32 $1.442695020e+00, v62;
	v58 =	vmul.f32 v0, v5  }
0x2be: {  	v10 =	vld [tilespmem:$0x1FF50];
	v61 =	vmul.f32 v39, v5;
	v62 =	vmul.f32 v9, v5  }
0x2bf: {  	v0 =	vmul.f32 v0, v7;
	v39 =	vmul.f32 v39, v7  }
0x2c0: {  	v24 =	vsub.f32 $5.000000000e+00, v30;
	v9 =	vmul.f32 v9, v7;
	v41 =	vmul.f32 $1.442695020e+00, v41  }
0x2c1: {  	vm6 =	vge.f32 v30, $5.000000000e+00;
	v42 =	vmul.f32 $1.442695020e+00, v42;
	v44 =	vmul.f32 $1.442695020e+00, v44  }
0x2c2: {  	vm13 =	vlt.f32 v30, $3.500000000e+00;
	v46 =	vmul.f32 $1.442695020e+00, v46;
	v30 =	vmul.f32 $1.442695020e+00, v48  }
0x2c3: {  	[tilespmem:s28+$0x20] =	vst v10;
	v10 =	vmov v23;
	v48 =	vmul.f32 $1.442695020e+00, v49;
	v23 =	vpop (erf);
	(erf) = vpow2.f32 v31  }
0x2c4: {  	v49 =	vmul.f32 $1.442695020e+00, v50;
	(erf) = vpow2.f32 v40  }
0x2c5: {  	v50 =	vmul.f32 $1.442695020e+00, v51;
	(erf) = vpow2.f32 v42  }
0x2c6: {  	v51 =	vmul.f32 $1.442695020e+00, v52;
	(erf) = vpow2.f32 v44  }
0x2c7: {  	v26 =	vsub.f32 $5.000000000e+00, v33;
	v52 =	vmul.f32 $1.442695020e+00, v63;
	(erf) = vpow2.f32 v46  }
0x2c8: {  	v43 =	vsub.f32 $5.000000000e+00, v35;
	v63 =	vmul.f32 v28, v7;
	(erf) = vpow2.f32 v30  }
0x2c9: {  	v28 =	vmul.f32 $6.666666860e-01, v26;
	(erf) = vpow2.f32 v48  }
0x2ca: {  	v26 =	vmul.f32 $6.666666860e-01, v43;
	(erf) = vpow2.f32 v49  }
0x2cb: {  	v0 =	vmul.f32 $1.442695020e+00, v0;
	(erf) = vpow2.f32 v50  }
0x2cc: {  	v39 =	vmul.f32 $1.442695020e+00, v39;
	v49 =	vpop (erf);
	(erf) = vpow2.f32 v51  }
0x2cd: {  	v9 =	vmul.f32 $1.442695020e+00, v9;
	v50 =	vpop (erf);
	(erf) = vpow2.f32 v52  }
0x2ce: {  	v31 =	vmul.f32 $1.442695020e+00, v57;
	v52 =	vpop (erf);
	(erf) = vpow2.f32 v53  }
0x2cf: {  	v57 =	vmul.f32 $1.442695020e+00, v62;
	v53 =	vpop (erf);
	(erf) = vpow2.f32 v54  }
0x2d0: {  	v43 =	vmul.f32 $1.442695020e+00, v63;
	v54 =	vpop (erf);
	(erf) = vpow2.f32 v56  }
0x2d1: {  	v40 =	vmul.f32 $1.442695020e+00, v58;
	v42 =	vmul.f32 $1.442695020e+00, v59;
	v56 =	vpop (erf)  }
0x2d2: {  	v47 =	vsub.f32 $5.000000000e+00, v37;
	v44 =	vmul.f32 $1.442695020e+00, v60;
	v46 =	vmul.f32 $1.442695020e+00, v61;
	v58 =	vpop (erf)  }
0x2d3: {  	vm10 =	vlt.f32 v36, $3.500000000e+00;
	v30 =	vmul.f32 $6.666666860e-01, v24;
	v59 =	vpop (erf);
	(erf) = vpow2.f32 v55  }
0x2d4: {  	vm2 =	vge.f32 v35, $5.000000000e+00;
	v24 =	vmul.f32 $6.666666860e-01, v47;
	v55 =	vpop (erf);
	(erf) = vpow2.f32 v31  }
0x2d5: {  	v25 =	vsub.f32 $5.000000000e+00, v32;
	v47 =	vmul.f32 $6.000000000e+00, v26;
	v31 =	vpop (erf);
	(erf) = vpow2.f32 v40  }
0x2d6: {  	v45 =	vsub.f32 $5.000000000e+00, v36;
	v51 =	vmul.f32 v29, v7;
	v60 =	vpop (erf);
	(erf) = vpow2.f32 v42  }
0x2d7: {  	vm9 =	vlt.f32 v35, $3.500000000e+00;
	v29 =	vmul.f32 $6.666666860e-01, v25;
	v61 =	vpop (erf);
	(erf) = vpow2.f32 v44  }
0x2d8: {  	vm3 =	vge.f32 v34, $5.000000000e+00;
	v25 =	vmul.f32 $6.666666860e-01, v45;
	v62 =	vpop (erf);
	(erf) = vpow2.f32 v46  }
0x2d9: {  	vm1 =	vge.f32 v36, $5.000000000e+00;
	v63 =	vpop (erf);
	(erf) = vpow2.f32 v57;
	v57 =	vmul.f32 $6.000000000e+00, v30  }
0x2da: {  	vm8 =	vlt.f32 v34, $3.500000000e+00;
	v45 =	vmul.f32 $6.000000000e+00, v28;
	v48 =	vmul.f32 $6.000000000e+00, v29  }
0x2db: {  	vm0 =	vge.f32 v37, $5.000000000e+00;
	v52 =	vmul.f32 v52, v2;
	v53 =	vmul.f32 v53, v4  }
0x2dc: {  	vm7 =	vlt.f32 v37, $3.500000000e+00;
	v54 =	vmul.f32 v54, v2;
	v56 =	vmul.f32 v56, v4  }
0x2dd: {  	v58 =	vmul.f32 v58, v2;
	v59 =	vmul.f32 v59, v4;
	v42 =	vadd.f32 $-1.500000000e+01, v57;
	v57 =	vpop (erf)  }
0x2de: {  	[tilespmem:$0x1FF50] =	vst v10;
	vm5 =	vge.f32 v32, $5.000000000e+00;
	v40 =	vmul.f32 $1.442695020e+00, v51;
	v10 =	vpop (erf);
	(erf) = vpow2.f32 v41  }
0x2df: {  	vm4 =	vge.f32 v33, $5.000000000e+00;
	v51 =	vmul.f32 $6.000000000e+00, v24;
	v11 =	vpop (erf);
	(erf) = vpow2.f32 v43  }
0x2e0: {  	v45 =	vadd.f32 $-1.500000000e+01, v45;
	v46 =	vmul.f32 $6.000000000e+00, v27;
	v12 =	vpop (erf);
	(erf) = vpow2.f32 v0  }
0x2e1: {  	v55 =	vmul.f32 v55, v2;
	v44 =	vadd.f32 $-1.500000000e+01, v48;
	v0 =	vpop (erf);
	(erf) = vpow2.f32 v38  }
0x2e2: {  	v48 =	vmul.f32 $6.000000000e+00, v25;
	v46 =	vadd.f32 $-1.500000000e+01, v46;
	v38 =	vpop (erf);
	(erf) = vpow2.f32 v40  }
0x2e3: {  	v42 =	vmul.f32 v42, v30;
	v41 =	vadd.f32 $-1.500000000e+01, v47;
	v14 =	vpop (erf);
	(erf) = vpow2.f32 v39  }
0x2e4: {  	v47 =	vadd.f32 $-1.500000000e+01, v48;
	v43 =	vmul.f32 v44, v29;
	(erf) = vpow2.f32 v9  }
0x2e5: {  	v48 =	vadd.f32 $-1.500000000e+01, v51;
	v51 =	vmul.f32 v45, v28;
	(erf) = vrcp.f32 v32  }
0x2e6: {  	v44 =	vmul.f32 v46, v27;
	v40 =	vadd.f32 $1.000000000e+01, v43;
	(erf) = vrcp.f32 v33  }
0x2e7: {  	v43 =	vadd.f32 $1.000000000e+01, v51;
	v51 =	vmul.f32 v41, v26;
	v41 =	vpop (erf);
	(erf) = vrcp.f32 v34  }
0x2e8: {  	v13 =	vadd.f32 $1.000000000e+01, v42;
	v9 =	vmul.f32 v47, v25;
	v42 =	vpop (erf);
	(erf) = vrcp.f32 v35  }
0x2e9: {  	v46 =	vadd.f32 $1.000000000e+01, v51;
	v51 =	vmul.f32 v48, v24;
	v45 =	vpop (erf);
	(erf) = vrcp.f32 v36  }
0x2ea: {  	vm12 =	vlt.f32 v33, $3.500000000e+00;
	v33 =	vmul.f32 v49, v2;
	v34 =	vpop (erf);
	(erf) = vrcp.f32 v37  }
0x2eb: {  	vm11 =	vlt.f32 v32, $3.500000000e+00;
	v31 =	vmul.f32 v31, v4;
	v60 =	vmul.f32 v60, v2;
	v48 =	vpop (erf)  }
0x2ec: {  	v39 =	vadd.f32 v53, v52;
	v47 =	vadd.f32 $1.000000000e+01, v9;
	v9 =	vmul.f32 v50, v4;
	v50 =	vpop (erf)  }
0x2ed: {  	s22 =	sadd.s32 $0x80, s22;
	v61 =	vmul.f32 v61, v4;
	v52 =	vadd.f32 v56, v54;
	v49 =	vadd.f32 $1.000000000e+01, v51;
	v51 =	vpop (erf)  }
0x2ee: {  	p1 =	slt.u32 s22, $0x700;
	v10 =	vmul.f32 v10, v6;
	v53 =	vadd.f32 v59, v58;
	v9 =	vadd.f32 v9, v33;
	v33 =	vpop (erf)  }
.Ltmp7:
0x2ef: {  	v54 =	vadd.f32 v31, v55;
	v31 =	vmul.f32 v62, v2;
	v59 =	vmul.f32 v63, v4;
	v35 =	vpop (erf);
	(pc) =	sbr.rel @p1 .LBB2_13-.Ltmp7, $4  }
0x2f0: {  	v44 =	vadd.f32 $1.000000000e+01, v44;
	v56 =	vmul.f32 v57, v6;
	v62 =	vmul.f32 v11, v6;
	v36 =	vpop (erf)  }
0x2f1: {  	v55 =	vadd.f32 v61, v60;
	v60 =	vmul.f32 v12, v6;
	v63 =	vmul.f32 v0, v6;
	v37 =	vpop (erf)  }
0x2f2: {  	s24 =	simm.s32 $0x770;
	v61 =	vmul.f32 v14, v6;
	v57 =	vadd.f32 v59, v31;
	v59 =	vmul.f32 v38, v6;
	v38 =	vpop (erf)  }
0x2f3: {  	s23 =	sadd.s32 $0x80, s23;
	s26 =	smov.u32 s21;
	s28 =	smov.u32 s18;
	v32 =	vmul.f32 v13, v30;
	v58 =	vadd.f32 v39, v10;
	v56 =	vadd.f32 v9, v56;
	v39 =	vpop (erf)  }
0x2f4: {  	v0 =	vmul.f32 v40, v29  }
0x2f5: {  	v41 =	vmul.f32 v41, v8;
	v32 =	vmul.f32 v32, v30  }
0x2f6: {  	v42 =	vmul.f32 v42, v8;
	v16 =	vmul.f32 v16, v23  }
0x2f7: {  	v41 =	vadd.f32 v56, v41;
	v0 =	vmul.f32 v0, v29;
	v30 =	vmul.f32 v32, v30  }
0x2f8: {  	v9 =	vadd.f32 v52, v62;
	v17 =	vmul.f32 v17, v33;
	v42 =	vadd.f32 v58, v42  }
0x2f9: {  	v0 =	vmul.f32 v0, v29;
	v16 =	vmul.f32 v41, v16;
	v58 =	vsel vm6, $0x0, v30  }
0x2fa: {  	v10 =	vmul.f32 v43, v28;
	v62 =	vadd.f32 v55, v59;
	v59 =	vsel vm13, $0x3F800000, v58  }
0x2fb: {  	v17 =	vmul.f32 v42, v17;
	v0 =	vsel vm5, $0x0, v0;
	v16 =	vmul.f32 v16, v59  }
0x2fc: {  	v45 =	vmul.f32 v45, v8;
	v10 =	vmul.f32 v10, v28;
	v0 =	vsel vm11, $0x3F800000, v0  }
0x2fd: {  	v0 =	vmul.f32 v17, v0;
	[tilespmem:s21+$0xFFFFFFC0] =	vst v16  }
0x2fe: {  	v18 =	vmul.f32 v18, v35;
	v9 =	vadd.f32 v9, v45;
	v10 =	vmul.f32 v10, v28;
	[tilespmem:s18+$0xFFFFFFC0] =	vst v15  }
0x2ff: {  	v12 =	vmul.f32 v44, v27;
	v14 =	vadd.f32 v54, v63;
	[tilespmem:s21+$0xFFFFFFD0] =	vst v0  }
0x300: {  	v63 =	vadd.f32 v57, v61;
	v9 =	vmul.f32 v9, v18;
	v10 =	vsel vm4, $0x0, v10;
	v61 =	vld [tilespmem:$0x1FF00]  }
0x301: {  	v34 =	vmul.f32 v34, v8;
	v10 =	vsel vm12, $0x3F800000, v10  }
0x302: {  	v11 =	vadd.f32 v53, v60;
	v12 =	vmul.f32 v12, v27;
	v9 =	vmul.f32 v9, v10  }
0x303: {  	v54 =	vmul.f32 v51, v8  }
0x304: {  	v19 =	vmul.f32 v19, v36;
	v11 =	vadd.f32 v11, v34;
	v12 =	vmul.f32 v12, v27;
	[tilespmem:s21+$0xFFFFFFE0] =	vst v9  }
0x305: {  	v13 =	vmul.f32 v46, v26;
	[tilespmem:s18+$0xFFFFFFD0] =	vst v61  }
0x306: {  	v56 =	vadd.f32 v63, v54;
	v11 =	vmul.f32 v11, v19;
	v12 =	vsel vm3, $0x0, v12;
	v63 =	vld [tilespmem:$0x1FF10]  }
0x307: {  	v60 =	vmul.f32 v49, v24;
	v52 =	vmul.f32 v48, v8;
	v12 =	vsel vm8, $0x3F800000, v12  }
0x308: {  	v13 =	vmul.f32 v13, v26;
	v11 =	vmul.f32 v11, v12  }
0x309: {  	v31 =	vmul.f32 v47, v25;
	v57 =	vmul.f32 v60, v24  }
0x30a: {  	v14 =	vadd.f32 v14, v52;
	v60 =	vmul.f32 v22, v37;
	v13 =	vmul.f32 v13, v26;
	[tilespmem:s21+$0xFFFFFFF0] =	vst v11  }
0x30b: {  	v53 =	vmul.f32 v50, v8;
	[tilespmem:s18+$0xFFFFFFE0] =	vst v63  }
0x30c: {  	v31 =	vmul.f32 v31, v25;
	v14 =	vmul.f32 v14, v60;
	v13 =	vsel vm2, $0x0, v13;
	v11 =	vld [tilespmem:$0x1FF20]  }
0x30d: {  	v13 =	vsel vm9, $0x3F800000, v13;
	v10 =	vmul.f32 v20, v38  }
0x30e: {  	v55 =	vadd.f32 v62, v53;
	v13 =	vmul.f32 v14, v13;
	v0 =	vmul.f32 v31, v25;
	_ =	sdelay $0x1  }
0x30f: {  	v10 =	vmul.f32 v55, v10;
	v0 =	vsel vm1, $0x0, v0;
	[tilespmem:s21+$0x0] =	vst v13  }
0x310: {  	v0 =	vsel vm10, $0x3F800000, v0;
	[tilespmem:s18+$0xFFFFFFF0] =	vst v11  }
0x311: {  	v0 =	vmul.f32 v10, v0;
	v10 =	vld [tilespmem:$0x1FF30];
	_ =	sdelay $0x1  }
0x312: {  	v62 =	vmul.f32 v21, v39;
	v9 =	vmul.f32 v57, v24;
	_ =	sdelay $0x1  }
0x313: {  	v9 =	vsel vm0, $0x0, v9;
	v11 =	vmul.f32 v56, v62;
	[tilespmem:s21+$0x10] =	vst v0  }
0x314: {  	v9 =	vsel vm7, $0x3F800000, v9;
	[tilespmem:s18+$0x0] =	vst v10  }
0x315: {  	v0 =	vmul.f32 v11, v9;
	v9 =	vld [tilespmem:$0x1FF40];
	_ =	sdelay $0x3  }
0x316: {  	[tilespmem:s26+$0x20] =	vst v0  }
0x317: {  	[tilespmem:s18+$0x10] =	vst v9  }
0x318: {  	v0 =	vld [tilespmem:$0x1FF50];
	_ =	sdelay $0x4  }
0x319: {  	[tilespmem:s28+$0x20] =	vst v0  }
.LBB2_15:
0x31a: {  	v0 =	vld [tilespmem:s11+$0x0]  }
0x31b: {  	v9 =	vld [tilespmem:s13+$0x0];
	_ =	sdelay $0x6  }
0x31c: {  	v10 =	vld.idx.msk [tilespmem:v0+s7+$0x0], $0xffff  }
0x31d: {  	v9 =	vld.idx.msk [tilespmem:v9+s7+$0x0], $0xffff;
	_ =	sdelay $0x6  }
0x31e: {  	v11 =	vld.idx.msk [tilespmem:v10+s31+$0x0], $0xffff  }
0x31f: {  	v12 =	vld.idx.msk [tilespmem:v9+s31+$0x0], $0xffff;
	_ =	sdelay $0x1  }
0x320: {  	v13 =	vld [tilespmem:s12+$0x0];
	_ =	sdelay $0x2  }
0x321: {  	v11 =	vadd.f32 v12, v11;
	_ =	sdelay $0x1  }
0x322: {  	v11 =	vmul.f32 v11, v13;
	_ =	sdelay $0x1  }
0x323: {  	v57 =	vmul.f32 v11, v1  }
0x324: {  	v14 =	vmul.f32 v11, v3  }
0x325: {  	v12 =	vmul.f32 $1.442695020e+00, v57  }
0x326: {  	v15 =	vmul.f32 v11, v5;
	v14 =	vmul.f32 $1.442695020e+00, v14  }
0x327: {  	v59 =	vsub.f32 $5.000000000e+00, v13;
	v11 =	vmul.f32 v11, v7;
	(erf) = vpow2.f32 v12  }
0x328: {  	v58 =	vmul.f32 $1.442695020e+00, v15;
	(erf) = vpow2.f32 v14  }
0x329: {  	v60 =	vmul.f32 $6.666666860e-01, v59  }
0x32a: {  	v11 =	vmul.f32 $1.442695020e+00, v11;
	(erf) = vpow2.f32 v58;
	_ =	sdelay $0x1  }
0x32b: {  	(erf) = vpow2.f32 v11;
	v11 =	vmul.f32 $6.000000000e+00, v60;
	_ =	sdelay $0x1  }
0x32c: {  	(erf) = vrcp.f32 v13;
	v11 =	vadd.f32 $-1.500000000e+01, v11;
	_ =	sdelay $0x1  }
0x32d: {  	v11 =	vmul.f32 v11, v60;
	v61 =	vpop (erf)  }
0x32e: {  	v62 =	vpop (erf)  }
0x32f: {  	v11 =	vadd.f32 $1.000000000e+01, v11;
	v14 =	vmul.f32 v61, v2;
	v15 =	vmul.f32 v62, v4  }
0x330: {  	v10 =	vcvt.s32.f32 v10;
	v9 =	vcvt.s32.f32 v9;
	v16 =	vpop (erf)  }
0x331: {  	v11 =	vmul.f32 v11, v60;
	v16 =	vmul.f32 v16, v6;
	v14 =	vadd.f32 v15, v14  }
0x332: {  	v9 =	vmul.f32 v9, v10;
	v17 =	vpop (erf)  }
0x333: {  	v63 =	vmul.f32 v17, v8;
	v11 =	vmul.f32 v11, v60;
	v14 =	vadd.f32 v14, v16  }
0x334: {  	v10 =	vpop (erf)  }
0x335: {  	v9 =	vmul.f32 v9, v10;
	v11 =	vmul.f32 v11, v60;
	v14 =	vadd.f32 v14, v63  }
0x336: {  	s24 =	sadd.s32 $0x10, s24;
	vm0 =	vge.f32 v13, $5.000000000e+00  }
0x337: {  	p1 =	slt.u32 s24, $0x7C0;
	vm1 =	vlt.f32 v13, $3.500000000e+00;
	v10 =	vsel vm0, $0x0, v11;
	v9 =	vmul.f32 v14, v9  }
.Ltmp8:
0x338: {  	v10 =	vsel vm1, $0x3F800000, v10;
	(pc) =	sbr.rel @p1 .LBB2_15-.Ltmp8, $3  }
0x339: {  	v9 =	vmul.f32 v9, v10;
	_ =	sdelay $0x1  }
0x33a: {  	s12 =	sadd.s32 $0x10, s12;
	s13 =	sadd.s32 $0x10, s13;
	[tilespmem:s17+$0x0] =	vst v9  }
0x33b: {  	s11 =	sadd.s32 $0x10, s11;
	s17 =	sadd.s32 $0x10, s17;
	[tilespmem:s14+$0x0] =	vst v0;
	s14 =	sadd.s32 $0x10, s14  }
.Ltmp9:
0x33c: {  	(pc) =	sbr.rel @p2 .LBB2_18-.Ltmp9, $2  }
0x33d: {  	_ =	sdelay $0x2  }
0x33e: {  	[spmem:s6] =	stream.indirect.scatter.add.f32 [tilespmem:s20], [sflag:$0x4], $0x1, s19, s2, $0xb8;
	[tilespmem:$0x1F0F0] =	vst v63  }
0x33f: {  	s9 =	smul.u32 $0xFA0, s8;
	_ =	sdelay $0x1  }
0x340: {  	s9 =	sadd.s32 s9, s16  }
0x341: {  	s9 =	sshrl.u32 s9, $0x3  }
0x342: {  	s11 =	simm.s32 $0x19080;
	s10 =	sadd.s32 s3, s9  }
0x343: {  	[tilespmem:s11], [sflag:$0x2] =	stream.linear.gather [hbm4b:s10+s7], $0x7D0, $0x38;
	[tilespmem:$0x1F0F0] =	vst v63  }
.Ltmp10:
0x344: {  	_ = 	snop;
	(pc) =	sbr.rel .LBB2_8-.Ltmp10, $4  }
0x345: {  	s26 =	simm.s32 $0x1A080;
	s24 =	sadd.s32 s4, s9  }
0x346: {  	[tilespmem:s26], [sflag:$0x2] =	stream.linear.gather [hbm4b:s24+s7], $0x7D0, $0x38;
	[tilespmem:$0x1F0F0] =	vst v63  }
0x347: {  	s28 =	simm.s32 $0x1B080;
	s8 =	sadd.s32 $0x1, s8;
	s9 =	sadd.s32 s1, s9  }
0x348: {  	[tilespmem:s28], [sflag:$0x2] =	stream.linear.gather [hbm4b:s9+s7], $0x7D0, $0x38;
	[tilespmem:$0x1F0F0] =	vst v63  }
.LBB2_19:
0x349: {  	_ =	sfence.sel $0x180000  }
0x34a: {  	[bflag:$0x0] =	sbarrier.arrive $0xFFFF  }
0x34b: {  	_ =	strace $0x90000047  }
0x34c: {  	[bflag:$0x2] =	sbarrier.arrive $0xFFFF  }
0x34d: {  	s0 =	rddreg [dreg:$0x7]  }
0x34e: {  	s0 =	sadd.s32 @!p0 $0x100000, s0  }
0x34f: {  	[sflag:s0] =	ssyncadd.tile.s32 @!p0 $0x1;
	_ =	shalt  }
.Lfunc_end2:
_tile_overlayer_lowered:
.L_overlay_start_2:
0x350: {  	(tag) =	ssettag $0x2  }
0x351: {  	s0 =	rddreg [dreg:$0x0];
	s2 =	stileid.u32  }
0x352: {  	s1 =	rddreg [dreg:$0x1];
	p0 =	sne.s32 s2, $0x0  }
0x353: {  	s3 =	rddreg [dreg:$0x2];
	[bflag:$0x3] =	sbarrier.arrive $0xFFFF;
	s2 =	simm.s32 @!p0 $0x1C05  }
0x354: {  	[timem:s3], [sflag:s2] =	dma.local @!p0 [hbm:s0], s1  }
0x355: {  	s0 =	simm.s32 @!p0 $0x5  }
0x356: {  	_ =	swait.ge @!p0 [sflag:s0], s1  }
0x357: {  	s1 =	ssub.s32 @!p0 $0x0, s1;
	[sflag:s0] =	ssyncset.done @!p0 $0x0  }
0x358: {  	[sflag:s0] =	ssyncadd.s32 @!p0 s1  }
0x359: {  	[bflag:$0x3] =	sbarrier.arrive $0xFFFF  }
0x35a: {  	_ =	shalt  }

</sc_bundles>
